<compile_context>
chip_gen: v7x
topology: tpu7x:2x2x1
jax: 0.10.2.dev20260603
libtpu: 0.0.44.dev20260713+nightly
codegen_flags: <defaults>
</compile_context>

<pallas_src>
import functools

import jax
import jax.numpy as jnp
import numpy as np
from jax import lax
from jax.experimental import pallas as pl
from jax.experimental.pallas import tpu as pltpu
from jax.experimental.pallas import tpu_sc as plsc

NC = 2
NS = 16
NW = NC * NS

B, C, H, W = 4, 31, 224, 224
T = 7
N_PLANES = B * C * T
N_SRC = B * C
ACTIVE = 31
CHUNKS_PER_W = 4
TR = H // 8


def _body(x_hbm, wdata_hbm, out_hbm, idx_v, buf0, buf1, gsem, wsem0, wsem1):
    w = lax.axis_index("s") * NC + lax.axis_index("c")

    @pl.when(w < ACTIVE)
    def _():
        pltpu.sync_copy(wdata_hbm.at[w], idx_v)
        bufs = (buf0, buf1)
        wsems = (wsem0, wsem1)
        lane = lax.broadcasted_iota(jnp.int32, (16,), 0)
        vsrc = idx_v[pl.ds(0, 16)]
        vr0 = idx_v[pl.ds(16, 16)]
        vr1 = idx_v[pl.ds(32, 16)]

        writes = {}
        for g in range(CHUNKS_PER_W):
            slot = g % 2
            if g >= 2:
                for h in writes[g - 2]:
                    h.wait()
            p = jnp.max(jnp.where(lane == g, vsrc, jnp.int32(-1)))
            src = pl.multiple_of(p * TR, TR)
            pltpu.async_copy(x_hbm.at[pl.ds(src, TR)], bufs[slot], gsem).wait()
            writes[g] = []
            for u in range(T):
                k = g * T + u
                vec = vr0 if k < 16 else vr1
                r = jnp.max(jnp.where(lane == (k % 16), vec, jnp.int32(-1)))
                row = pl.multiple_of(r * TR, TR)
                writes[g].append(
                    pltpu.async_copy(
                        bufs[slot], out_hbm.at[pl.ds(row, TR)], wsems[slot]
                    )
                )
        for g in (CHUNKS_PER_W - 2, CHUNKS_PER_W - 1):
            for h in writes[g]:
                h.wait()


_sc_gather = functools.partial(
    pl.kernel,
    out_type=jax.ShapeDtypeStruct((N_PLANES * TR, 8, W), jnp.float32),
    mesh=plsc.VectorSubcoreMesh(
        core_axis_name="c", subcore_axis_name="s", num_cores=NC, num_subcores=NS
    ),
    scratch_types=[
        pltpu.VMEM((48,), jnp.int32),
        pltpu.VMEM((TR, 8, W), jnp.float32),
        pltpu.VMEM((TR, 8, W), jnp.float32),
        pltpu.SemaphoreType.DMA,
        pltpu.SemaphoreType.DMA,
        pltpu.SemaphoreType.DMA,
    ],
    compiler_params=pltpu.CompilerParams(
        use_tc_tiling_on_sc=True, needs_layout_passes=False
    ),
)(_body)


def _window_table():
    idx = np.zeros((C, T), np.int32)
    for c in range(C):
        for off in range(-(T // 2), T // 2 + 1):
            t = c + off
            if t < 0:
                t = -t - 1
            elif t >= C:
                t = 2 * C - t - 1
            idx[c, off + T // 2] = t
    return idx


def _make_wdata():
    flat = _window_table().reshape(-1)
    src = (np.arange(B, dtype=np.int32)[:, None] * C + flat[None, :]).reshape(-1)
    order = np.argsort(src, kind="stable").astype(np.int32)
    srcs7 = src[order[::T]].astype(np.int32)
    wdata = np.zeros((NW, 48), np.int32)
    wdata[:ACTIVE, :CHUNKS_PER_W] = srcs7.reshape(ACTIVE, CHUNKS_PER_W)
    wdata[:ACTIVE, 16:16 + CHUNKS_PER_W * T] = order.reshape(ACTIVE, CHUNKS_PER_W * T)
    return wdata


_WDATA = _make_wdata()


def kernel(x, channel_indices):
    assert x.shape == (B, C, H, W) and channel_indices.shape == (C, T)

    x3 = x.reshape(B * C * TR, 8, W)
    out3 = _sc_gather(x3, jnp.asarray(_WDATA))
    return out3.reshape(B, C, T, H, W)

# --- scband reference (transcript-rebuilt; emitter-appended) ---
"""Pipeline reference for scband-spectral-window-preprocessor-26912265076910 (READ-ONLY COPY).

The authoritative reference and input builder live on the scoring server;
editing this copy changes nothing except your own understanding.
"""

import jax, jax.numpy as jnp
import numpy as np

NUM_CHANNELS = 31
WINDOW_SIZE = 3
PADDING_MODE = 'reflect'
TOTAL_WINDOW = 2 * WINDOW_SIZE + 1


def _compute_channel_indices(num_channels, window_size, padding_mode):
    indices = np.zeros((num_channels, 2 * window_size + 1), dtype=np.int64)
    for center_ch in range(num_channels):
        window_indices = []
        for offset in range(-window_size, window_size + 1):
            target_ch = center_ch + offset
            if padding_mode == 'zero':
                if target_ch < 0 or target_ch >= num_channels:
                    window_indices.append(-1)
                else:
                    window_indices.append(target_ch)
            elif padding_mode == 'reflect':
                if target_ch < 0:
                    target_ch = -target_ch - 1
                elif target_ch >= num_channels:
                    target_ch = 2 * num_channels - target_ch - 1
                window_indices.append(max(0, min(target_ch, num_channels - 1)))
            elif padding_mode == 'replicate':
                target_ch = max(0, min(target_ch, num_channels - 1))
                window_indices.append(target_ch)
        indices[center_ch] = np.array(window_indices, dtype=np.int64)
    return indices


def setup_inputs(seed: int = 0) -> dict:
    key = jax.random.key(seed)
    x = jax.random.normal(key, (4, NUM_CHANNELS, 224, 224), dtype=jnp.float32)
    channel_indices = jnp.asarray(_compute_channel_indices(NUM_CHANNELS, WINDOW_SIZE, PADDING_MODE))
    return {"x": x, "channel_indices": channel_indices}


def reference(x, channel_indices):
    B, C, H, W = x.shape
    # Gather neighboring spectral channels: [B, C*TOTAL_WINDOW, H, W] -> [B, C, TOTAL_WINDOW, H, W]
    flat_idx = channel_indices.reshape(-1)  # [C * TOTAL_WINDOW]
    gathered = jnp.take(x, flat_idx, axis=1)
    output = gathered.reshape(B, C, TOTAL_WINDOW, H, W)
    return output

if __name__ == "__main__":
    import jax
    _d = setup_inputs()
    print(jax.jit(kernel)(*tuple(_d.values())))

</pallas_src>

<mosaic_0001>
#map = affine_map<(d0, d1) -> (0, 0, 0)>
#map1 = affine_map<(d0, d1) -> (0, 0)>
module attributes {stable_mosaic.version = 14 : i64} {
  func.func @_body(%arg0: i32, %arg1: i32, %arg2: memref<3472x8x224xf32, #tpu.memory_space<hbm>>, %arg3: memref<32x48xi32, #tpu.memory_space<hbm>>, %arg4: memref<24304x8x224xf32, #tpu.memory_space<hbm>>, %arg5: memref<48xi32, #tpu.memory_space<vmem>>, %arg6: memref<28x8x224xf32, #tpu.memory_space<vmem>>, %arg7: memref<28x8x224xf32, #tpu.memory_space<vmem>>, %arg8: memref<!tpu.dma_semaphore, #tpu.memory_space<semaphore_mem>>, %arg9: memref<!tpu.dma_semaphore, #tpu.memory_space<semaphore_mem>>, %arg10: memref<!tpu.dma_semaphore, #tpu.memory_space<semaphore_mem>>) attributes {dimension_semantics = [#tpu.dimension_semantics<core_parallel>, #tpu.dimension_semantics<subcore_parallel>], iteration_bounds = array<i64: 2, 16>, scalar_prefetch = 0 : i64, scratch_operands = 6 : i64, tpu.core_type = #tpu.core_type<sc_vector_subcore>, window_params = [{transform_indices = #map}, {transform_indices = #map1}, {transform_indices = #map}]} {
    %mul3A = arith.constant 2 : i32
    %mul3A_0 = arith.muli %arg1, %mul3A : i32
    %add3A = arith.addi %mul3A_0, %arg0 : i32
    %lt3A = arith.constant 31 : i32
    %lt3A_1 = arith.cmpi slt, %add3A, %lt3A : i32
    %convert_element_type3A = arith.extui %lt3A_1 : i1 to i32
    %cond3A = arith.constant 0 : i32
    %cond3A_2 = arith.cmpi ne, %convert_element_type3A, %cond3A : i32
    scf.if %cond3A_2 {
      "tpu.region"() ({
        %run_scoped3A = tpu.sem_alloc : memref<!tpu.dma_semaphore, #tpu.memory_space<semaphore_mem>>
        %dma_start3A_928 = arith.constant 0 : i32
        %dma_start3A_929 = tpu.memref_slice %arg3[%add3A, %dma_start3A_928] : memref<32x48xi32, #tpu.memory_space<hbm>> -> memref<1x48xi32, #tpu.memory_space<hbm>>
        %dma_start3A_930 = tpu.memref_squeeze %dma_start3A_929 : memref<1x48xi32, #tpu.memory_space<hbm>> -> memref<48xi32, #tpu.memory_space<hbm>>
        %dma_start3A_931 = arith.constant 0 : i32
        %dma_start3A_932 = tpu.memref_slice %arg3[%add3A, %dma_start3A_931] : memref<32x48xi32, #tpu.memory_space<hbm>> -> memref<1x48xi32, #tpu.memory_space<hbm>>
        %dma_start3A_933 = tpu.memref_squeeze %dma_start3A_932 : memref<1x48xi32, #tpu.memory_space<hbm>> -> memref<48xi32, #tpu.memory_space<hbm>>
        tpu.enqueue_dma source(%dma_start3A_933 : memref<48xi32, #tpu.memory_space<hbm>>) target(%arg5 : memref<48xi32, #tpu.memory_space<vmem>>) target_semaphore(%run_scoped3A : memref<!tpu.dma_semaphore, #tpu.memory_space<semaphore_mem>>)
        %dma_wait3A_934 = arith.constant 0 : i32
        %dma_wait3A_935 = tpu.memref_slice %arg3[%add3A, %dma_wait3A_934] : memref<32x48xi32, #tpu.memory_space<hbm>> -> memref<1x48xi32, #tpu.memory_space<hbm>>
        %dma_wait3A_936 = tpu.memref_squeeze %dma_wait3A_935 : memref<1x48xi32, #tpu.memory_space<hbm>> -> memref<48xi32, #tpu.memory_space<hbm>>
        %dma_wait3A_937 = arith.constant 0 : i32
        %dma_wait3A_938 = tpu.memref_slice %arg3[%add3A, %dma_wait3A_937] : memref<32x48xi32, #tpu.memory_space<hbm>> -> memref<1x48xi32, #tpu.memory_space<hbm>>
        %dma_wait3A_939 = tpu.memref_squeeze %dma_wait3A_938 : memref<1x48xi32, #tpu.memory_space<hbm>> -> memref<48xi32, #tpu.memory_space<hbm>>
        tpu.wait_dma2 semaphore(%run_scoped3A : memref<!tpu.dma_semaphore, #tpu.memory_space<semaphore_mem>>) src(%dma_wait3A_939 : memref<48xi32, #tpu.memory_space<hbm>>) dst(%arg5 : memref<48xi32, #tpu.memory_space<vmem>>)
        tpu.yield
      }) : () -> ()
      %iota3A = tpu.iota {dimensions = array<i32: 0>} : vector<16xi32>
      %get3A = arith.constant 0 : index
      %get3A_3 = tpu.vector_load %arg5[%get3A] {strides = array<i32>} : memref<48xi32, #tpu.memory_space<vmem>>, vector<16xi32>,
      %get3A_4 = arith.constant 16 : index
      %get3A_5 = tpu.vector_load %arg5[%get3A_4] {strides = array<i32>} : memref<48xi32, #tpu.memory_space<vmem>>, vector<16xi32>,
      %get3A_6 = arith.constant 32 : index
      %get3A_7 = tpu.vector_load %arg5[%get3A_6] {strides = array<i32>} : memref<48xi32, #tpu.memory_space<vmem>>, vector<16xi32>,
      %eq3A = arith.constant 0 : i32
      %eq3A_8 = vector.broadcast %eq3A : i32 to vector<16xi32>
      %eq3A_9 = arith.cmpi eq, %iota3A, %eq3A_8 : vector<16xi32>
      %jit3A = arith.constant -1 : i32
      %broadcast_in_dim3A = vector.broadcast %jit3A : i32 to vector<16xi32>
      %select_n3A = arith.select %eq3A_9, %get3A_3, %broadcast_in_dim3A : vector<16xi1>, vector<16xi32>
      %reduce_max3A = arith.constant true
      %reduce_max3A_10 = vector.broadcast %reduce_max3A : i1 to vector<16xi1>
      %reduce_max3A_11 = arith.constant -2147483648 : i32
      %reduce_max3A_12 = vector.broadcast %reduce_max3A_11 : i32 to vector<16xi32>
      %reduce_max3A_13 = arith.xori %select_n3A, %reduce_max3A_12 : vector<16xi32>
      %reduce_max3A_14 = tpu.scan <max>, %reduce_max3A_13 masked %reduce_max3A_10 : vector<16xi32>, vector<16xi1> -> vector<16xi32>
      %reduce_max3A_15 = arith.xori %reduce_max3A_14, %reduce_max3A_12 : vector<16xi32>
      %reduce_max3A_16 = vector.extract %reduce_max3A_15[15] : i32 from vector<16xi32>
      %mul3A_17 = arith.constant 28 : i32
      %mul3A_18 = arith.muli %reduce_max3A_16, %mul3A_17 : i32
      %multiple_of3A = tpu.assume_multiple %mul3A_18, 28 : i32
      %dma_start3A = arith.constant 0 : i32
      %dma_start3A_19 = arith.constant 0 : i32
      %dma_start3A_20 = tpu.memref_slice %arg2[%multiple_of3A, %dma_start3A, %dma_start3A_19] : memref<3472x8x224xf32, #tpu.memory_space<hbm>> -> memref<28x8x224xf32, #tpu.memory_space<hbm>>
      %dma_start3A_21 = arith.constant 0 : i32
      %dma_start3A_22 = arith.constant 0 : i32
      %dma_start3A_23 = tpu.memref_slice %arg2[%multiple_of3A, %dma_start3A_21, %dma_start3A_22] : memref<3472x8x224xf32, #tpu.memory_space<hbm>> -> memref<28x8x224xf32, #tpu.memory_space<hbm>>
      tpu.enqueue_dma source(%dma_start3A_23 : memref<28x8x224xf32, #tpu.memory_space<hbm>>) target(%arg6 : memref<28x8x224xf32, #tpu.memory_space<vmem>>) target_semaphore(%arg8 : memref<!tpu.dma_semaphore, #tpu.memory_space<semaphore_mem>>)
      %dma_wait3A = arith.constant 0 : i32
      %dma_wait3A_24 = arith.constant 0 : i32
      %dma_wait3A_25 = tpu.memref_slice %arg2[%multiple_of3A, %dma_wait3A, %dma_wait3A_24] : memref<3472x8x224xf32, #tpu.memory_space<hbm>> -> memref<28x8x224xf32, #tpu.memory_space<hbm>>
      %dma_wait3A_26 = arith.constant 0 : i32
      %dma_wait3A_27 = arith.constant 0 : i32
      %dma_wait3A_28 = tpu.memref_slice %arg2[%multiple_of3A, %dma_wait3A_26, %dma_wait3A_27] : memref<3472x8x224xf32, #tpu.memory_space<hbm>> -> memref<28x8x224xf32, #tpu.memory_space<hbm>>
      tpu.wait_dma2 semaphore(%arg8 : memref<!tpu.dma_semaphore, #tpu.memory_space<semaphore_mem>>) src(%dma_wait3A_28 : memref<28x8x224xf32, #tpu.memory_space<hbm>>) dst(%arg6 : memref<28x8x224xf32, #tpu.memory_space<vmem>>)
      %eq3A_29 = arith.constant 0 : i32
      %eq3A_30 = vector.broadcast %eq3A_29 : i32 to vector<16xi32>
      %eq3A_31 = arith.cmpi eq, %iota3A, %eq3A_30 : vector<16xi32>
      %jit3A_32 = arith.constant -1 : i32
      %broadcast_in_dim3A_33 = vector.broadcast %jit3A_32 : i32 to vector<16xi32>
      %select_n3A_34 = arith.select %eq3A_31, %get3A_5, %broadcast_in_dim3A_33 : vector<16xi1>, vector<16xi32>
      %reduce_max3A_35 = arith.constant true
      %reduce_max3A_36 = vector.broadcast %reduce_max3A_35 : i1 to vector<16xi1>
      %reduce_max3A_37 = arith.constant -2147483648 : i32
      %reduce_max3A_38 = vector.broadcast %reduce_max3A_37 : i32 to vector<16xi32>
      %reduce_max3A_39 = arith.xori %select_n3A_34, %reduce_max3A_38 : vector<16xi32>
      %reduce_max3A_40 = tpu.scan <max>, %reduce_max3A_39 masked %reduce_max3A_36 : vector<16xi32>, vector<16xi1> -> vector<16xi32>
      %reduce_max3A_41 = arith.xori %reduce_max3A_40, %reduce_max3A_38 : vector<16xi32>
      %reduce_max3A_42 = vector.extract %reduce_max3A_41[15] : i32 from vector<16xi32>
      %mul3A_43 = arith.constant 28 : i32
      %mul3A_44 = arith.muli %reduce_max3A_42, %mul3A_43 : i32
      %multiple_of3A_45 = tpu.assume_multiple %mul3A_44, 28 : i32
      %dma_start3A_46 = arith.constant 0 : i32
      %dma_start3A_47 = arith.constant 0 : i32
      %dma_start3A_48 = tpu.memref_slice %arg4[%multiple_of3A_45, %dma_start3A_46, %dma_start3A_47] : memref<24304x8x224xf32, #tpu.memory_space<hbm>> -> memref<28x8x224xf32, #tpu.memory_space<hbm>>
      %dma_start3A_49 = arith.constant 0 : i32
      %dma_start3A_50 = arith.constant 0 : i32
      %dma_start3A_51 = tpu.memref_slice %arg4[%multiple_of3A_45, %dma_start3A_49, %dma_start3A_50] : memref<24304x8x224xf32, #tpu.memory_space<hbm>> -> memref<28x8x224xf32, #tpu.memory_space<hbm>>
      tpu.enqueue_dma source(%arg6 : memref<28x8x224xf32, #tpu.memory_space<vmem>>) target(%dma_start3A_51 : memref<28x8x224xf32, #tpu.memory_space<hbm>>) target_semaphore(%arg9 : memref<!tpu.dma_semaphore, #tpu.memory_space<semaphore_mem>>)
      %eq3A_52 = arith.constant 1 : i32
      %eq3A_53 = vector.broadcast %eq3A_52 : i32 to vector<16xi32>
      %eq3A_54 = arith.cmpi eq, %iota3A, %eq3A_53 : vector<16xi32>
      %jit3A_55 = arith.constant -1 : i32
      %broadcast_in_dim3A_56 = vector.broadcast %jit3A_55 : i32 to vector<16xi32>
      %select_n3A_57 = arith.select %eq3A_54, %get3A_5, %broadcast_in_dim3A_56 : vector<16xi1>, vector<16xi32>
      %reduce_max3A_58 = arith.constant true
      %reduce_max3A_59 = vector.broadcast %reduce_max3A_58 : i1 to vector<16xi1>
      %reduce_max3A_60 = arith.constant -2147483648 : i32
      %reduce_max3A_61 = vector.broadcast %reduce_max3A_60 : i32 to vector<16xi32>
      %reduce_max3A_62 = arith.xori %select_n3A_57, %reduce_max3A_61 : vector<16xi32>
      %reduce_max3A_63 = tpu.scan <max>, %reduce_max3A_62 masked %reduce_max3A_59 : vector<16xi32>, vector<16xi1> -> vector<16xi32>
      %reduce_max3A_64 = arith.xori %reduce_max3A_63, %reduce_max3A_61 : vector<16xi32>
      %reduce_max3A_65 = vector.extract %reduce_max3A_64[15] : i32 from vector<16xi32>
      %mul3A_66 = arith.constant 28 : i32
      %mul3A_67 = arith.muli %reduce_max3A_65, %mul3A_66 : i32
      %multiple_of3A_68 = tpu.assume_multiple %mul3A_67, 28 : i32
      %dma_start3A_69 = arith.constant 0 : i32
      %dma_start3A_70 = arith.constant 0 : i32
      %dma_start3A_71 = tpu.memref_slice %arg4[%multiple_of3A_68, %dma_start3A_69, %dma_start3A_70] : memref<24304x8x224xf32, #tpu.memory_space<hbm>> -> memref<28x8x224xf32, #tpu.memory_space<hbm>>
      %dma_start3A_72 = arith.constant 0 : i32
      %dma_start3A_73 = arith.constant 0 : i32
      %dma_start3A_74 = tpu.memref_slice %arg4[%multiple_of3A_68, %dma_start3A_72, %dma_start3A_73] : memref<24304x8x224xf32, #tpu.memory_space<hbm>> -> memref<28x8x224xf32, #tpu.memory_space<hbm>>
      tpu.enqueue_dma source(%arg6 : memref<28x8x224xf32, #tpu.memory_space<vmem>>) target(%dma_start3A_74 : memref<28x8x224xf32, #tpu.memory_space<hbm>>) target_semaphore(%arg9 : memref<!tpu.dma_semaphore, #tpu.memory_space<semaphore_mem>>)
      %eq3A_75 = arith.constant 2 : i32
      %eq3A_76 = vector.broadcast %eq3A_75 : i32 to vector<16xi32>
      %eq3A_77 = arith.cmpi eq, %iota3A, %eq3A_76 : vector<16xi32>
      %jit3A_78 = arith.constant -1 : i32
      %broadcast_in_dim3A_79 = vector.broadcast %jit3A_78 : i32 to vector<16xi32>
      %select_n3A_80 = arith.select %eq3A_77, %get3A_5, %broadcast_in_dim3A_79 : vector<16xi1>, vector<16xi32>
      %reduce_max3A_81 = arith.constant true
      %reduce_max3A_82 = vector.broadcast %reduce_max3A_81 : i1 to vector<16xi1>
      %reduce_max3A_83 = arith.constant -2147483648 : i32
      %reduce_max3A_84 = vector.broadcast %reduce_max3A_83 : i32 to vector<16xi32>
      %reduce_max3A_85 = arith.xori %select_n3A_80, %reduce_max3A_84 : vector<16xi32>
      %reduce_max3A_86 = tpu.scan <max>, %reduce_max3A_85 masked %reduce_max3A_82 : vector<16xi32>, vector<16xi1> -> vector<16xi32>
      %reduce_max3A_87 = arith.xori %reduce_max3A_86, %reduce_max3A_84 : vector<16xi32>
      %reduce_max3A_88 = vector.extract %reduce_max3A_87[15] : i32 from vector<16xi32>
      %mul3A_89 = arith.constant 28 : i32
      %mul3A_90 = arith.muli %reduce_max3A_88, %mul3A_89 : i32
      %multiple_of3A_91 = tpu.assume_multiple %mul3A_90, 28 : i32
      %dma_start3A_92 = arith.constant 0 : i32
      %dma_start3A_93 = arith.constant 0 : i32
      %dma_start3A_94 = tpu.memref_slice %arg4[%multiple_of3A_91, %dma_start3A_92, %dma_start3A_93] : memref<24304x8x224xf32, #tpu.memory_space<hbm>> -> memref<28x8x224xf32, #tpu.memory_space<hbm>>
      %dma_start3A_95 = arith.constant 0 : i32
      %dma_start3A_96 = arith.constant 0 : i32
      %dma_start3A_97 = tpu.memref_slice %arg4[%multiple_of3A_91, %dma_start3A_95, %dma_start3A_96] : memref<24304x8x224xf32, #tpu.memory_space<hbm>> -> memref<28x8x224xf32, #tpu.memory_space<hbm>>
      tpu.enqueue_dma source(%arg6 : memref<28x8x224xf32, #tpu.memory_space<vmem>>) target(%dma_start3A_97 : memref<28x8x224xf32, #tpu.memory_space<hbm>>) target_semaphore(%arg9 : memref<!tpu.dma_semaphore, #tpu.memory_space<semaphore_mem>>)
      %eq3A_98 = arith.constant 3 : i32
      %eq3A_99 = vector.broadcast %eq3A_98 : i32 to vector<16xi32>
      %eq3A_100 = arith.cmpi eq, %iota3A, %eq3A_99 : vector<16xi32>
      %jit3A_101 = arith.constant -1 : i32
      %broadcast_in_dim3A_102 = vector.broadcast %jit3A_101 : i32 to vector<16xi32>
      %select_n3A_103 = arith.select %eq3A_100, %get3A_5, %broadcast_in_dim3A_102 : vector<16xi1>, vector<16xi32>
      %reduce_max3A_104 = arith.constant true
      %reduce_max3A_105 = vector.broadcast %reduce_max3A_104 : i1 to vector<16xi1>
      %reduce_max3A_106 = arith.constant -2147483648 : i32
      %reduce_max3A_107 = vector.broadcast %reduce_max3A_106 : i32 to vector<16xi32>
      %reduce_max3A_108 = arith.xori %select_n3A_103, %reduce_max3A_107 : vector<16xi32>
      %reduce_max3A_109 = tpu.scan <max>, %reduce_max3A_108 masked %reduce_max3A_105 : vector<16xi32>, vector<16xi1> -> vector<16xi32>
      %reduce_max3A_110 = arith.xori %reduce_max3A_109, %reduce_max3A_107 : vector<16xi32>
      %reduce_max3A_111 = vector.extract %reduce_max3A_110[15] : i32 from vector<16xi32>
      %mul3A_112 = arith.constant 28 : i32
      %mul3A_113 = arith.muli %reduce_max3A_111, %mul3A_112 : i32
      %multiple_of3A_114 = tpu.assume_multiple %mul3A_113, 28 : i32
      %dma_start3A_115 = arith.constant 0 : i32
      %dma_start3A_116 = arith.constant 0 : i32
      %dma_start3A_117 = tpu.memref_slice %arg4[%multiple_of3A_114, %dma_start3A_115, %dma_start3A_116] : memref<24304x8x224xf32, #tpu.memory_space<hbm>> -> memref<28x8x224xf32, #tpu.memory_space<hbm>>
      %dma_start3A_118 = arith.constant 0 : i32
      %dma_start3A_119 = arith.constant 0 : i32
      %dma_start3A_120 = tpu.memref_slice %arg4[%multiple_of3A_114, %dma_start3A_118, %dma_start3A_119] : memref<24304x8x224xf32, #tpu.memory_space<hbm>> -> memref<28x8x224xf32, #tpu.memory_space<hbm>>
      tpu.enqueue_dma source(%arg6 : memref<28x8x224xf32, #tpu.memory_space<vmem>>) target(%dma_start3A_120 : memref<28x8x224xf32, #tpu.memory_space<hbm>>) target_semaphore(%arg9 : memref<!tpu.dma_semaphore, #tpu.memory_space<semaphore_mem>>)
      %eq3A_121 = arith.constant 4 : i32
      %eq3A_122 = vector.broadcast %eq3A_121 : i32 to vector<16xi32>
      %eq3A_123 = arith.cmpi eq, %iota3A, %eq3A_122 : vector<16xi32>
      %jit3A_124 = arith.constant -1 : i32
      %broadcast_in_dim3A_125 = vector.broadcast %jit3A_124 : i32 to vector<16xi32>
      %select_n3A_126 = arith.select %eq3A_123, %get3A_5, %broadcast_in_dim3A_125 : vector<16xi1>, vector<16xi32>
      %reduce_max3A_127 = arith.constant true
      %reduce_max3A_128 = vector.broadcast %reduce_max3A_127 : i1 to vector<16xi1>
      %reduce_max3A_129 = arith.constant -2147483648 : i32
      %reduce_max3A_130 = vector.broadcast %reduce_max3A_129 : i32 to vector<16xi32>
      %reduce_max3A_131 = arith.xori %select_n3A_126, %reduce_max3A_130 : vector<16xi32>
      %reduce_max3A_132 = tpu.scan <max>, %reduce_max3A_131 masked %reduce_max3A_128 : vector<16xi32>, vector<16xi1> -> vector<16xi32>
      %reduce_max3A_133 = arith.xori %reduce_max3A_132, %reduce_max3A_130 : vector<16xi32>
      %reduce_max3A_134 = vector.extract %reduce_max3A_133[15] : i32 from vector<16xi32>
      %mul3A_135 = arith.constant 28 : i32
      %mul3A_136 = arith.muli %reduce_max3A_134, %mul3A_135 : i32
      %multiple_of3A_137 = tpu.assume_multiple %mul3A_136, 28 : i32
      %dma_start3A_138 = arith.constant 0 : i32
      %dma_start3A_139 = arith.constant 0 : i32
      %dma_start3A_140 = tpu.memref_slice %arg4[%multiple_of3A_137, %dma_start3A_138, %dma_start3A_139] : memref<24304x8x224xf32, #tpu.memory_space<hbm>> -> memref<28x8x224xf32, #tpu.memory_space<hbm>>
      %dma_start3A_141 = arith.constant 0 : i32
      %dma_start3A_142 = arith.constant 0 : i32
      %dma_start3A_143 = tpu.memref_slice %arg4[%multiple_of3A_137, %dma_start3A_141, %dma_start3A_142] : memref<24304x8x224xf32, #tpu.memory_space<hbm>> -> memref<28x8x224xf32, #tpu.memory_space<hbm>>
      tpu.enqueue_dma source(%arg6 : memref<28x8x224xf32, #tpu.memory_space<vmem>>) target(%dma_start3A_143 : memref<28x8x224xf32, #tpu.memory_space<hbm>>) target_semaphore(%arg9 : memref<!tpu.dma_semaphore, #tpu.memory_space<semaphore_mem>>)
      %eq3A_144 = arith.constant 5 : i32
      %eq3A_145 = vector.broadcast %eq3A_144 : i32 to vector<16xi32>
      %eq3A_146 = arith.cmpi eq, %iota3A, %eq3A_145 : vector<16xi32>
      %jit3A_147 = arith.constant -1 : i32
      %broadcast_in_dim3A_148 = vector.broadcast %jit3A_147 : i32 to vector<16xi32>
      %select_n3A_149 = arith.select %eq3A_146, %get3A_5, %broadcast_in_dim3A_148 : vector<16xi1>, vector<16xi32>
      %reduce_max3A_150 = arith.constant true
      %reduce_max3A_151 = vector.broadcast %reduce_max3A_150 : i1 to vector<16xi1>
      %reduce_max3A_152 = arith.constant -2147483648 : i32
      %reduce_max3A_153 = vector.broadcast %reduce_max3A_152 : i32 to vector<16xi32>
      %reduce_max3A_154 = arith.xori %select_n3A_149, %reduce_max3A_153 : vector<16xi32>
      %reduce_max3A_155 = tpu.scan <max>, %reduce_max3A_154 masked %reduce_max3A_151 : vector<16xi32>, vector<16xi1> -> vector<16xi32>
      %reduce_max3A_156 = arith.xori %reduce_max3A_155, %reduce_max3A_153 : vector<16xi32>
      %reduce_max3A_157 = vector.extract %reduce_max3A_156[15] : i32 from vector<16xi32>
      %mul3A_158 = arith.constant 28 : i32
      %mul3A_159 = arith.muli %reduce_max3A_157, %mul3A_158 : i32
      %multiple_of3A_160 = tpu.assume_multiple %mul3A_159, 28 : i32
      %dma_start3A_161 = arith.constant 0 : i32
      %dma_start3A_162 = arith.constant 0 : i32
      %dma_start3A_163 = tpu.memref_slice %arg4[%multiple_of3A_160, %dma_start3A_161, %dma_start3A_162] : memref<24304x8x224xf32, #tpu.memory_space<hbm>> -> memref<28x8x224xf32, #tpu.memory_space<hbm>>
      %dma_start3A_164 = arith.constant 0 : i32
      %dma_start3A_165 = arith.constant 0 : i32
      %dma_start3A_166 = tpu.memref_slice %arg4[%multiple_of3A_160, %dma_start3A_164, %dma_start3A_165] : memref<24304x8x224xf32, #tpu.memory_space<hbm>> -> memref<28x8x224xf32, #tpu.memory_space<hbm>>
      tpu.enqueue_dma source(%arg6 : memref<28x8x224xf32, #tpu.memory_space<vmem>>) target(%dma_start3A_166 : memref<28x8x224xf32, #tpu.memory_space<hbm>>) target_semaphore(%arg9 : memref<!tpu.dma_semaphore, #tpu.memory_space<semaphore_mem>>)
      %eq3A_167 = arith.constant 6 : i32
      %eq3A_168 = vector.broadcast %eq3A_167 : i32 to vector<16xi32>
      %eq3A_169 = arith.cmpi eq, %iota3A, %eq3A_168 : vector<16xi32>
      %jit3A_170 = arith.constant -1 : i32
      %broadcast_in_dim3A_171 = vector.broadcast %jit3A_170 : i32 to vector<16xi32>
      %select_n3A_172 = arith.select %eq3A_169, %get3A_5, %broadcast_in_dim3A_171 : vector<16xi1>, vector<16xi32>
      %reduce_max3A_173 = arith.constant true
      %reduce_max3A_174 = vector.broadcast %reduce_max3A_173 : i1 to vector<16xi1>
      %reduce_max3A_175 = arith.constant -2147483648 : i32
      %reduce_max3A_176 = vector.broadcast %reduce_max3A_175 : i32 to vector<16xi32>
      %reduce_max3A_177 = arith.xori %select_n3A_172, %reduce_max3A_176 : vector<16xi32>
      %reduce_max3A_178 = tpu.scan <max>, %reduce_max3A_177 masked %reduce_max3A_174 : vector<16xi32>, vector<16xi1> -> vector<16xi32>
      %reduce_max3A_179 = arith.xori %reduce_max3A_178, %reduce_max3A_176 : vector<16xi32>
      %reduce_max3A_180 = vector.extract %reduce_max3A_179[15] : i32 from vector<16xi32>
      %mul3A_181 = arith.constant 28 : i32
      %mul3A_182 = arith.muli %reduce_max3A_180, %mul3A_181 : i32
      %multiple_of3A_183 = tpu.assume_multiple %mul3A_182, 28 : i32
      %dma_start3A_184 = arith.constant 0 : i32
      %dma_start3A_185 = arith.constant 0 : i32
      %dma_start3A_186 = tpu.memref_slice %arg4[%multiple_of3A_183, %dma_start3A_184, %dma_start3A_185] : memref<24304x8x224xf32, #tpu.memory_space<hbm>> -> memref<28x8x224xf32, #tpu.memory_space<hbm>>
      %dma_start3A_187 = arith.constant 0 : i32
      %dma_start3A_188 = arith.constant 0 : i32
      %dma_start3A_189 = tpu.memref_slice %arg4[%multiple_of3A_183, %dma_start3A_187, %dma_start3A_188] : memref<24304x8x224xf32, #tpu.memory_space<hbm>> -> memref<28x8x224xf32, #tpu.memory_space<hbm>>
      tpu.enqueue_dma source(%arg6 : memref<28x8x224xf32, #tpu.memory_space<vmem>>) target(%dma_start3A_189 : memref<28x8x224xf32, #tpu.memory_space<hbm>>) target_semaphore(%arg9 : memref<!tpu.dma_semaphore, #tpu.memory_space<semaphore_mem>>)
      %eq3A_190 = arith.constant 1 : i32
      %eq3A_191 = vector.broadcast %eq3A_190 : i32 to vector<16xi32>
      %eq3A_192 = arith.cmpi eq, %iota3A, %eq3A_191 : vector<16xi32>
      %jit3A_193 = arith.constant -1 : i32
      %broadcast_in_dim3A_194 = vector.broadcast %jit3A_193 : i32 to vector<16xi32>
      %select_n3A_195 = arith.select %eq3A_192, %get3A_3, %broadcast_in_dim3A_194 : vector<16xi1>, vector<16xi32>
      %reduce_max3A_196 = arith.constant true
      %reduce_max3A_197 = vector.broadcast %reduce_max3A_196 : i1 to vector<16xi1>
      %reduce_max3A_198 = arith.constant -2147483648 : i32
      %reduce_max3A_199 = vector.broadcast %reduce_max3A_198 : i32 to vector<16xi32>
      %reduce_max3A_200 = arith.xori %select_n3A_195, %reduce_max3A_199 : vector<16xi32>
      %reduce_max3A_201 = tpu.scan <max>, %reduce_max3A_200 masked %reduce_max3A_197 : vector<16xi32>, vector<16xi1> -> vector<16xi32>
      %reduce_max3A_202 = arith.xori %reduce_max3A_201, %reduce_max3A_199 : vector<16xi32>
      %reduce_max3A_203 = vector.extract %reduce_max3A_202[15] : i32 from vector<16xi32>
      %mul3A_204 = arith.constant 28 : i32
      %mul3A_205 = arith.muli %reduce_max3A_203, %mul3A_204 : i32
      %multiple_of3A_206 = tpu.assume_multiple %mul3A_205, 28 : i32
      %dma_start3A_207 = arith.constant 0 : i32
      %dma_start3A_208 = arith.constant 0 : i32
      %dma_start3A_209 = tpu.memref_slice %arg2[%multiple_of3A_206, %dma_start3A_207, %dma_start3A_208] : memref<3472x8x224xf32, #tpu.memory_space<hbm>> -> memref<28x8x224xf32, #tpu.memory_space<hbm>>
      %dma_start3A_210 = arith.constant 0 : i32
      %dma_start3A_211 = arith.constant 0 : i32
      %dma_start3A_212 = tpu.memref_slice %arg2[%multiple_of3A_206, %dma_start3A_210, %dma_start3A_211] : memref<3472x8x224xf32, #tpu.memory_space<hbm>> -> memref<28x8x224xf32, #tpu.memory_space<hbm>>
      tpu.enqueue_dma source(%dma_start3A_212 : memref<28x8x224xf32, #tpu.memory_space<hbm>>) target(%arg7 : memref<28x8x224xf32, #tpu.memory_space<vmem>>) target_semaphore(%arg8 : memref<!tpu.dma_semaphore, #tpu.memory_space<semaphore_mem>>)
      %dma_wait3A_213 = arith.constant 0 : i32
      %dma_wait3A_214 = arith.constant 0 : i32
      %dma_wait3A_215 = tpu.memref_slice %arg2[%multiple_of3A_206, %dma_wait3A_213, %dma_wait3A_214] : memref<3472x8x224xf32, #tpu.memory_space<hbm>> -> memref<28x8x224xf32, #tpu.memory_space<hbm>>
      %dma_wait3A_216 = arith.constant 0 : i32
      %dma_wait3A_217 = arith.constant 0 : i32
      %dma_wait3A_218 = tpu.memref_slice %arg2[%multiple_of3A_206, %dma_wait3A_216, %dma_wait3A_217] : memref<3472x8x224xf32, #tpu.memory_space<hbm>> -> memref<28x8x224xf32, #tpu.memory_space<hbm>>
      tpu.wait_dma2 semaphore(%arg8 : memref<!tpu.dma_semaphore, #tpu.memory_space<semaphore_mem>>) src(%dma_wait3A_218 : memref<28x8x224xf32, #tpu.memory_space<hbm>>) dst(%arg7 : memref<28x8x224xf32, #tpu.memory_space<vmem>>)
      %eq3A_219 = arith.constant 7 : i32
      %eq3A_220 = vector.broadcast %eq3A_219 : i32 to vector<16xi32>
      %eq3A_221 = arith.cmpi eq, %iota3A, %eq3A_220 : vector<16xi32>
      %jit3A_222 = arith.constant -1 : i32
      %broadcast_in_dim3A_223 = vector.broadcast %jit3A_222 : i32 to vector<16xi32>
      %select_n3A_224 = arith.select %eq3A_221, %get3A_5, %broadcast_in_dim3A_223 : vector<16xi1>, vector<16xi32>
      %reduce_max3A_225 = arith.constant true
      %reduce_max3A_226 = vector.broadcast %reduce_max3A_225 : i1 to vector<16xi1>
      %reduce_max3A_227 = arith.constant -2147483648 : i32
      %reduce_max3A_228 = vector.broadcast %reduce_max3A_227 : i32 to vector<16xi32>
      %reduce_max3A_229 = arith.xori %select_n3A_224, %reduce_max3A_228 : vector<16xi32>
      %reduce_max3A_230 = tpu.scan <max>, %reduce_max3A_229 masked %reduce_max3A_226 : vector<16xi32>, vector<16xi1> -> vector<16xi32>
      %reduce_max3A_231 = arith.xori %reduce_max3A_230, %reduce_max3A_228 : vector<16xi32>
      %reduce_max3A_232 = vector.extract %reduce_max3A_231[15] : i32 from vector<16xi32>
      %mul3A_233 = arith.constant 28 : i32
      %mul3A_234 = arith.muli %reduce_max3A_232, %mul3A_233 : i32
      %multiple_of3A_235 = tpu.assume_multiple %mul3A_234, 28 : i32
      %dma_start3A_236 = arith.constant 0 : i32
      %dma_start3A_237 = arith.constant 0 : i32
      %dma_start3A_238 = tpu.memref_slice %arg4[%multiple_of3A_235, %dma_start3A_236, %dma_start3A_237] : memref<24304x8x224xf32, #tpu.memory_space<hbm>> -> memref<28x8x224xf32, #tpu.memory_space<hbm>>
      %dma_start3A_239 = arith.constant 0 : i32
      %dma_start3A_240 = arith.constant 0 : i32
      %dma_start3A_241 = tpu.memref_slice %arg4[%multiple_of3A_235, %dma_start3A_239, %dma_start3A_240] : memref<24304x8x224xf32, #tpu.memory_space<hbm>> -> memref<28x8x224xf32, #tpu.memory_space<hbm>>
      tpu.enqueue_dma source(%arg7 : memref<28x8x224xf32, #tpu.memory_space<vmem>>) target(%dma_start3A_241 : memref<28x8x224xf32, #tpu.memory_space<hbm>>) target_semaphore(%arg10 : memref<!tpu.dma_semaphore, #tpu.memory_space<semaphore_mem>>)
      %eq3A_242 = arith.constant 8 : i32
      %eq3A_243 = vector.broadcast %eq3A_242 : i32 to vector<16xi32>
      %eq3A_244 = arith.cmpi eq, %iota3A, %eq3A_243 : vector<16xi32>
      %jit3A_245 = arith.constant -1 : i32
      %broadcast_in_dim3A_246 = vector.broadcast %jit3A_245 : i32 to vector<16xi32>
      %select_n3A_247 = arith.select %eq3A_244, %get3A_5, %broadcast_in_dim3A_246 : vector<16xi1>, vector<16xi32>
      %reduce_max3A_248 = arith.constant true
      %reduce_max3A_249 = vector.broadcast %reduce_max3A_248 : i1 to vector<16xi1>
      %reduce_max3A_250 = arith.constant -2147483648 : i32
      %reduce_max3A_251 = vector.broadcast %reduce_max3A_250 : i32 to vector<16xi32>
      %reduce_max3A_252 = arith.xori %select_n3A_247, %reduce_max3A_251 : vector<16xi32>
      %reduce_max3A_253 = tpu.scan <max>, %reduce_max3A_252 masked %reduce_max3A_249 : vector<16xi32>, vector<16xi1> -> vector<16xi32>
      %reduce_max3A_254 = arith.xori %reduce_max3A_253, %reduce_max3A_251 : vector<16xi32>
      %reduce_max3A_255 = vector.extract %reduce_max3A_254[15] : i32 from vector<16xi32>
      %mul3A_256 = arith.constant 28 : i32
      %mul3A_257 = arith.muli %reduce_max3A_255, %mul3A_256 : i32
      %multiple_of3A_258 = tpu.assume_multiple %mul3A_257, 28 : i32
      %dma_start3A_259 = arith.constant 0 : i32
      %dma_start3A_260 = arith.constant 0 : i32
      %dma_start3A_261 = tpu.memref_slice %arg4[%multiple_of3A_258, %dma_start3A_259, %dma_start3A_260] : memref<24304x8x224xf32, #tpu.memory_space<hbm>> -> memref<28x8x224xf32, #tpu.memory_space<hbm>>
      %dma_start3A_262 = arith.constant 0 : i32
      %dma_start3A_263 = arith.constant 0 : i32
      %dma_start3A_264 = tpu.memref_slice %arg4[%multiple_of3A_258, %dma_start3A_262, %dma_start3A_263] : memref<24304x8x224xf32, #tpu.memory_space<hbm>> -> memref<28x8x224xf32, #tpu.memory_space<hbm>>
      tpu.enqueue_dma source(%arg7 : memref<28x8x224xf32, #tpu.memory_space<vmem>>) target(%dma_start3A_264 : memref<28x8x224xf32, #tpu.memory_space<hbm>>) target_semaphore(%arg10 : memref<!tpu.dma_semaphore, #tpu.memory_space<semaphore_mem>>)
      %eq3A_265 = arith.constant 9 : i32
      %eq3A_266 = vector.broadcast %eq3A_265 : i32 to vector<16xi32>
      %eq3A_267 = arith.cmpi eq, %iota3A, %eq3A_266 : vector<16xi32>
      %jit3A_268 = arith.constant -1 : i32
      %broadcast_in_dim3A_269 = vector.broadcast %jit3A_268 : i32 to vector<16xi32>
      %select_n3A_270 = arith.select %eq3A_267, %get3A_5, %broadcast_in_dim3A_269 : vector<16xi1>, vector<16xi32>
      %reduce_max3A_271 = arith.constant true
      %reduce_max3A_272 = vector.broadcast %reduce_max3A_271 : i1 to vector<16xi1>
      %reduce_max3A_273 = arith.constant -2147483648 : i32
      %reduce_max3A_274 = vector.broadcast %reduce_max3A_273 : i32 to vector<16xi32>
      %reduce_max3A_275 = arith.xori %select_n3A_270, %reduce_max3A_274 : vector<16xi32>
      %reduce_max3A_276 = tpu.scan <max>, %reduce_max3A_275 masked %reduce_max3A_272 : vector<16xi32>, vector<16xi1> -> vector<16xi32>
      %reduce_max3A_277 = arith.xori %reduce_max3A_276, %reduce_max3A_274 : vector<16xi32>
      %reduce_max3A_278 = vector.extract %reduce_max3A_277[15] : i32 from vector<16xi32>
      %mul3A_279 = arith.constant 28 : i32
      %mul3A_280 = arith.muli %reduce_max3A_278, %mul3A_279 : i32
      %multiple_of3A_281 = tpu.assume_multiple %mul3A_280, 28 : i32
      %dma_start3A_282 = arith.constant 0 : i32
      %dma_start3A_283 = arith.constant 0 : i32
      %dma_start3A_284 = tpu.memref_slice %arg4[%multiple_of3A_281, %dma_start3A_282, %dma_start3A_283] : memref<24304x8x224xf32, #tpu.memory_space<hbm>> -> memref<28x8x224xf32, #tpu.memory_space<hbm>>
      %dma_start3A_285 = arith.constant 0 : i32
      %dma_start3A_286 = arith.constant 0 : i32
      %dma_start3A_287 = tpu.memref_slice %arg4[%multiple_of3A_281, %dma_start3A_285, %dma_start3A_286] : memref<24304x8x224xf32, #tpu.memory_space<hbm>> -> memref<28x8x224xf32, #tpu.memory_space<hbm>>
      tpu.enqueue_dma source(%arg7 : memref<28x8x224xf32, #tpu.memory_space<vmem>>) target(%dma_start3A_287 : memref<28x8x224xf32, #tpu.memory_space<hbm>>) target_semaphore(%arg10 : memref<!tpu.dma_semaphore, #tpu.memory_space<semaphore_mem>>)
      %eq3A_288 = arith.constant 10 : i32
      %eq3A_289 = vector.broadcast %eq3A_288 : i32 to vector<16xi32>
      %eq3A_290 = arith.cmpi eq, %iota3A, %eq3A_289 : vector<16xi32>
      %jit3A_291 = arith.constant -1 : i32
      %broadcast_in_dim3A_292 = vector.broadcast %jit3A_291 : i32 to vector<16xi32>
      %select_n3A_293 = arith.select %eq3A_290, %get3A_5, %broadcast_in_dim3A_292 : vector<16xi1>, vector<16xi32>
      %reduce_max3A_294 = arith.constant true
      %reduce_max3A_295 = vector.broadcast %reduce_max3A_294 : i1 to vector<16xi1>
      %reduce_max3A_296 = arith.constant -2147483648 : i32
      %reduce_max3A_297 = vector.broadcast %reduce_max3A_296 : i32 to vector<16xi32>
      %reduce_max3A_298 = arith.xori %select_n3A_293, %reduce_max3A_297 : vector<16xi32>
      %reduce_max3A_299 = tpu.scan <max>, %reduce_max3A_298 masked %reduce_max3A_295 : vector<16xi32>, vector<16xi1> -> vector<16xi32>
      %reduce_max3A_300 = arith.xori %reduce_max3A_299, %reduce_max3A_297 : vector<16xi32>
      %reduce_max3A_301 = vector.extract %reduce_max3A_300[15] : i32 from vector<16xi32>
      %mul3A_302 = arith.constant 28 : i32
      %mul3A_303 = arith.muli %reduce_max3A_301, %mul3A_302 : i32
      %multiple_of3A_304 = tpu.assume_multiple %mul3A_303, 28 : i32
      %dma_start3A_305 = arith.constant 0 : i32
      %dma_start3A_306 = arith.constant 0 : i32
      %dma_start3A_307 = tpu.memref_slice %arg4[%multiple_of3A_304, %dma_start3A_305, %dma_start3A_306] : memref<24304x8x224xf32, #tpu.memory_space<hbm>> -> memref<28x8x224xf32, #tpu.memory_space<hbm>>
      %dma_start3A_308 = arith.constant 0 : i32
      %dma_start3A_309 = arith.constant 0 : i32
      %dma_start3A_310 = tpu.memref_slice %arg4[%multiple_of3A_304, %dma_start3A_308, %dma_start3A_309] : memref<24304x8x224xf32, #tpu.memory_space<hbm>> -> memref<28x8x224xf32, #tpu.memory_space<hbm>>
      tpu.enqueue_dma source(%arg7 : memref<28x8x224xf32, #tpu.memory_space<vmem>>) target(%dma_start3A_310 : memref<28x8x224xf32, #tpu.memory_space<hbm>>) target_semaphore(%arg10 : memref<!tpu.dma_semaphore, #tpu.memory_space<semaphore_mem>>)
      %eq3A_311 = arith.constant 11 : i32
      %eq3A_312 = vector.broadcast %eq3A_311 : i32 to vector<16xi32>
      %eq3A_313 = arith.cmpi eq, %iota3A, %eq3A_312 : vector<16xi32>
      %jit3A_314 = arith.constant -1 : i32
      %broadcast_in_dim3A_315 = vector.broadcast %jit3A_314 : i32 to vector<16xi32>
      %select_n3A_316 = arith.select %eq3A_313, %get3A_5, %broadcast_in_dim3A_315 : vector<16xi1>, vector<16xi32>
      %reduce_max3A_317 = arith.constant true
      %reduce_max3A_318 = vector.broadcast %reduce_max3A_317 : i1 to vector<16xi1>
      %reduce_max3A_319 = arith.constant -2147483648 : i32
      %reduce_max3A_320 = vector.broadcast %reduce_max3A_319 : i32 to vector<16xi32>
      %reduce_max3A_321 = arith.xori %select_n3A_316, %reduce_max3A_320 : vector<16xi32>
      %reduce_max3A_322 = tpu.scan <max>, %reduce_max3A_321 masked %reduce_max3A_318 : vector<16xi32>, vector<16xi1> -> vector<16xi32>
      %reduce_max3A_323 = arith.xori %reduce_max3A_322, %reduce_max3A_320 : vector<16xi32>
      %reduce_max3A_324 = vector.extract %reduce_max3A_323[15] : i32 from vector<16xi32>
      %mul3A_325 = arith.constant 28 : i32
      %mul3A_326 = arith.muli %reduce_max3A_324, %mul3A_325 : i32
      %multiple_of3A_327 = tpu.assume_multiple %mul3A_326, 28 : i32
      %dma_start3A_328 = arith.constant 0 : i32
      %dma_start3A_329 = arith.constant 0 : i32
      %dma_start3A_330 = tpu.memref_slice %arg4[%multiple_of3A_327, %dma_start3A_328, %dma_start3A_329] : memref<24304x8x224xf32, #tpu.memory_space<hbm>> -> memref<28x8x224xf32, #tpu.memory_space<hbm>>
      %dma_start3A_331 = arith.constant 0 : i32
      %dma_start3A_332 = arith.constant 0 : i32
      %dma_start3A_333 = tpu.memref_slice %arg4[%multiple_of3A_327, %dma_start3A_331, %dma_start3A_332] : memref<24304x8x224xf32, #tpu.memory_space<hbm>> -> memref<28x8x224xf32, #tpu.memory_space<hbm>>
      tpu.enqueue_dma source(%arg7 : memref<28x8x224xf32, #tpu.memory_space<vmem>>) target(%dma_start3A_333 : memref<28x8x224xf32, #tpu.memory_space<hbm>>) target_semaphore(%arg10 : memref<!tpu.dma_semaphore, #tpu.memory_space<semaphore_mem>>)
      %eq3A_334 = arith.constant 12 : i32
      %eq3A_335 = vector.broadcast %eq3A_334 : i32 to vector<16xi32>
      %eq3A_336 = arith.cmpi eq, %iota3A, %eq3A_335 : vector<16xi32>
      %jit3A_337 = arith.constant -1 : i32
      %broadcast_in_dim3A_338 = vector.broadcast %jit3A_337 : i32 to vector<16xi32>
      %select_n3A_339 = arith.select %eq3A_336, %get3A_5, %broadcast_in_dim3A_338 : vector<16xi1>, vector<16xi32>
      %reduce_max3A_340 = arith.constant true
      %reduce_max3A_341 = vector.broadcast %reduce_max3A_340 : i1 to vector<16xi1>
      %reduce_max3A_342 = arith.constant -2147483648 : i32
      %reduce_max3A_343 = vector.broadcast %reduce_max3A_342 : i32 to vector<16xi32>
      %reduce_max3A_344 = arith.xori %select_n3A_339, %reduce_max3A_343 : vector<16xi32>
      %reduce_max3A_345 = tpu.scan <max>, %reduce_max3A_344 masked %reduce_max3A_341 : vector<16xi32>, vector<16xi1> -> vector<16xi32>
      %reduce_max3A_346 = arith.xori %reduce_max3A_345, %reduce_max3A_343 : vector<16xi32>
      %reduce_max3A_347 = vector.extract %reduce_max3A_346[15] : i32 from vector<16xi32>
      %mul3A_348 = arith.constant 28 : i32
      %mul3A_349 = arith.muli %reduce_max3A_347, %mul3A_348 : i32
      %multiple_of3A_350 = tpu.assume_multiple %mul3A_349, 28 : i32
      %dma_start3A_351 = arith.constant 0 : i32
      %dma_start3A_352 = arith.constant 0 : i32
      %dma_start3A_353 = tpu.memref_slice %arg4[%multiple_of3A_350, %dma_start3A_351, %dma_start3A_352] : memref<24304x8x224xf32, #tpu.memory_space<hbm>> -> memref<28x8x224xf32, #tpu.memory_space<hbm>>
      %dma_start3A_354 = arith.constant 0 : i32
      %dma_start3A_355 = arith.constant 0 : i32
      %dma_start3A_356 = tpu.memref_slice %arg4[%multiple_of3A_350, %dma_start3A_354, %dma_start3A_355] : memref<24304x8x224xf32, #tpu.memory_space<hbm>> -> memref<28x8x224xf32, #tpu.memory_space<hbm>>
      tpu.enqueue_dma source(%arg7 : memref<28x8x224xf32, #tpu.memory_space<vmem>>) target(%dma_start3A_356 : memref<28x8x224xf32, #tpu.memory_space<hbm>>) target_semaphore(%arg10 : memref<!tpu.dma_semaphore, #tpu.memory_space<semaphore_mem>>)
      %eq3A_357 = arith.constant 13 : i32
      %eq3A_358 = vector.broadcast %eq3A_357 : i32 to vector<16xi32>
      %eq3A_359 = arith.cmpi eq, %iota3A, %eq3A_358 : vector<16xi32>
      %jit3A_360 = arith.constant -1 : i32
      %broadcast_in_dim3A_361 = vector.broadcast %jit3A_360 : i32 to vector<16xi32>
      %select_n3A_362 = arith.select %eq3A_359, %get3A_5, %broadcast_in_dim3A_361 : vector<16xi1>, vector<16xi32>
      %reduce_max3A_363 = arith.constant true
      %reduce_max3A_364 = vector.broadcast %reduce_max3A_363 : i1 to vector<16xi1>
      %reduce_max3A_365 = arith.constant -2147483648 : i32
      %reduce_max3A_366 = vector.broadcast %reduce_max3A_365 : i32 to vector<16xi32>
      %reduce_max3A_367 = arith.xori %select_n3A_362, %reduce_max3A_366 : vector<16xi32>
      %reduce_max3A_368 = tpu.scan <max>, %reduce_max3A_367 masked %reduce_max3A_364 : vector<16xi32>, vector<16xi1> -> vector<16xi32>
      %reduce_max3A_369 = arith.xori %reduce_max3A_368, %reduce_max3A_366 : vector<16xi32>
      %reduce_max3A_370 = vector.extract %reduce_max3A_369[15] : i32 from vector<16xi32>
      %mul3A_371 = arith.constant 28 : i32
      %mul3A_372 = arith.muli %reduce_max3A_370, %mul3A_371 : i32
      %multiple_of3A_373 = tpu.assume_multiple %mul3A_372, 28 : i32
      %dma_start3A_374 = arith.constant 0 : i32
      %dma_start3A_375 = arith.constant 0 : i32
      %dma_start3A_376 = tpu.memref_slice %arg4[%multiple_of3A_373, %dma_start3A_374, %dma_start3A_375] : memref<24304x8x224xf32, #tpu.memory_space<hbm>> -> memref<28x8x224xf32, #tpu.memory_space<hbm>>
      %dma_start3A_377 = arith.constant 0 : i32
      %dma_start3A_378 = arith.constant 0 : i32
      %dma_start3A_379 = tpu.memref_slice %arg4[%multiple_of3A_373, %dma_start3A_377, %dma_start3A_378] : memref<24304x8x224xf32, #tpu.memory_space<hbm>> -> memref<28x8x224xf32, #tpu.memory_space<hbm>>
      tpu.enqueue_dma source(%arg7 : memref<28x8x224xf32, #tpu.memory_space<vmem>>) target(%dma_start3A_379 : memref<28x8x224xf32, #tpu.memory_space<hbm>>) target_semaphore(%arg10 : memref<!tpu.dma_semaphore, #tpu.memory_space<semaphore_mem>>)
      %dma_wait3A_380 = arith.constant 0 : i32
      %dma_wait3A_381 = arith.constant 0 : i32
      %dma_wait3A_382 = tpu.memref_slice %arg4[%multiple_of3A_45, %dma_wait3A_380, %dma_wait3A_381] : memref<24304x8x224xf32, #tpu.memory_space<hbm>> -> memref<28x8x224xf32, #tpu.memory_space<hbm>>
      %dma_wait3A_383 = arith.constant 0 : i32
      %dma_wait3A_384 = arith.constant 0 : i32
      %dma_wait3A_385 = tpu.memref_slice %arg4[%multiple_of3A_45, %dma_wait3A_383, %dma_wait3A_384] : memref<24304x8x224xf32, #tpu.memory_space<hbm>> -> memref<28x8x224xf32, #tpu.memory_space<hbm>>
      tpu.wait_dma2 semaphore(%arg9 : memref<!tpu.dma_semaphore, #tpu.memory_space<semaphore_mem>>) src(%arg6 : memref<28x8x224xf32, #tpu.memory_space<vmem>>) dst(%dma_wait3A_385 : memref<28x8x224xf32, #tpu.memory_space<hbm>>)
      %dma_wait3A_386 = arith.constant 0 : i32
      %dma_wait3A_387 = arith.constant 0 : i32
      %dma_wait3A_388 = tpu.memref_slice %arg4[%multiple_of3A_68, %dma_wait3A_386, %dma_wait3A_387] : memref<24304x8x224xf32, #tpu.memory_space<hbm>> -> memref<28x8x224xf32, #tpu.memory_space<hbm>>
      %dma_wait3A_389 = arith.constant 0 : i32
      %dma_wait3A_390 = arith.constant 0 : i32
      %dma_wait3A_391 = tpu.memref_slice %arg4[%multiple_of3A_68, %dma_wait3A_389, %dma_wait3A_390] : memref<24304x8x224xf32, #tpu.memory_space<hbm>> -> memref<28x8x224xf32, #tpu.memory_space<hbm>>
      tpu.wait_dma2 semaphore(%arg9 : memref<!tpu.dma_semaphore, #tpu.memory_space<semaphore_mem>>) src(%arg6 : memref<28x8x224xf32, #tpu.memory_space<vmem>>) dst(%dma_wait3A_391 : memref<28x8x224xf32, #tpu.memory_space<hbm>>)
      %dma_wait3A_392 = arith.constant 0 : i32
      %dma_wait3A_393 = arith.constant 0 : i32
      %dma_wait3A_394 = tpu.memref_slice %arg4[%multiple_of3A_91, %dma_wait3A_392, %dma_wait3A_393] : memref<24304x8x224xf32, #tpu.memory_space<hbm>> -> memref<28x8x224xf32, #tpu.memory_space<hbm>>
      %dma_wait3A_395 = arith.constant 0 : i32
      %dma_wait3A_396 = arith.constant 0 : i32
      %dma_wait3A_397 = tpu.memref_slice %arg4[%multiple_of3A_91, %dma_wait3A_395, %dma_wait3A_396] : memref<24304x8x224xf32, #tpu.memory_space<hbm>> -> memref<28x8x224xf32, #tpu.memory_space<hbm>>
      tpu.wait_dma2 semaphore(%arg9 : memref<!tpu.dma_semaphore, #tpu.memory_space<semaphore_mem>>) src(%arg6 : memref<28x8x224xf32, #tpu.memory_space<vmem>>) dst(%dma_wait3A_397 : memref<28x8x224xf32, #tpu.memory_space<hbm>>)
      %dma_wait3A_398 = arith.constant 0 : i32
      %dma_wait3A_399 = arith.constant 0 : i32
      %dma_wait3A_400 = tpu.memref_slice %arg4[%multiple_of3A_114, %dma_wait3A_398, %dma_wait3A_399] : memref<24304x8x224xf32, #tpu.memory_space<hbm>> -> memref<28x8x224xf32, #tpu.memory_space<hbm>>
      %dma_wait3A_401 = arith.constant 0 : i32
      %dma_wait3A_402 = arith.constant 0 : i32
      %dma_wait3A_403 = tpu.memref_slice %arg4[%multiple_of3A_114, %dma_wait3A_401, %dma_wait3A_402] : memref<24304x8x224xf32, #tpu.memory_space<hbm>> -> memref<28x8x224xf32, #tpu.memory_space<hbm>>
      tpu.wait_dma2 semaphore(%arg9 : memref<!tpu.dma_semaphore, #tpu.memory_space<semaphore_mem>>) src(%arg6 : memref<28x8x224xf32, #tpu.memory_space<vmem>>) dst(%dma_wait3A_403 : memref<28x8x224xf32, #tpu.memory_space<hbm>>)
      %dma_wait3A_404 = arith.constant 0 : i32
      %dma_wait3A_405 = arith.constant 0 : i32
      %dma_wait3A_406 = tpu.memref_slice %arg4[%multiple_of3A_137, %dma_wait3A_404, %dma_wait3A_405] : memref<24304x8x224xf32, #tpu.memory_space<hbm>> -> memref<28x8x224xf32, #tpu.memory_space<hbm>>
      %dma_wait3A_407 = arith.constant 0 : i32
      %dma_wait3A_408 = arith.constant 0 : i32
      %dma_wait3A_409 = tpu.memref_slice %arg4[%multiple_of3A_137, %dma_wait3A_407, %dma_wait3A_408] : memref<24304x8x224xf32, #tpu.memory_space<hbm>> -> memref<28x8x224xf32, #tpu.memory_space<hbm>>
      tpu.wait_dma2 semaphore(%arg9 : memref<!tpu.dma_semaphore, #tpu.memory_space<semaphore_mem>>) src(%arg6 : memref<28x8x224xf32, #tpu.memory_space<vmem>>) dst(%dma_wait3A_409 : memref<28x8x224xf32, #tpu.memory_space<hbm>>)
      %dma_wait3A_410 = arith.constant 0 : i32
      %dma_wait3A_411 = arith.constant 0 : i32
      %dma_wait3A_412 = tpu.memref_slice %arg4[%multiple_of3A_160, %dma_wait3A_410, %dma_wait3A_411] : memref<24304x8x224xf32, #tpu.memory_space<hbm>> -> memref<28x8x224xf32, #tpu.memory_space<hbm>>
      %dma_wait3A_413 = arith.constant 0 : i32
      %dma_wait3A_414 = arith.constant 0 : i32
      %dma_wait3A_415 = tpu.memref_slice %arg4[%multiple_of3A_160, %dma_wait3A_413, %dma_wait3A_414] : memref<24304x8x224xf32, #tpu.memory_space<hbm>> -> memref<28x8x224xf32, #tpu.memory_space<hbm>>
      tpu.wait_dma2 semaphore(%arg9 : memref<!tpu.dma_semaphore, #tpu.memory_space<semaphore_mem>>) src(%arg6 : memref<28x8x224xf32, #tpu.memory_space<vmem>>) dst(%dma_wait3A_415 : memref<28x8x224xf32, #tpu.memory_space<hbm>>)
      %dma_wait3A_416 = arith.constant 0 : i32
      %dma_wait3A_417 = arith.constant 0 : i32
      %dma_wait3A_418 = tpu.memref_slice %arg4[%multiple_of3A_183, %dma_wait3A_416, %dma_wait3A_417] : memref<24304x8x224xf32, #tpu.memory_space<hbm>> -> memref<28x8x224xf32, #tpu.memory_space<hbm>>
      %dma_wait3A_419 = arith.constant 0 : i32
      %dma_wait3A_420 = arith.constant 0 : i32
      %dma_wait3A_421 = tpu.memref_slice %arg4[%multiple_of3A_183, %dma_wait3A_419, %dma_wait3A_420] : memref<24304x8x224xf32, #tpu.memory_space<hbm>> -> memref<28x8x224xf32, #tpu.memory_space<hbm>>
      tpu.wait_dma2 semaphore(%arg9 : memref<!tpu.dma_semaphore, #tpu.memory_space<semaphore_mem>>) src(%arg6 : memref<28x8x224xf32, #tpu.memory_space<vmem>>) dst(%dma_wait3A_421 : memref<28x8x224xf32, #tpu.memory_space<hbm>>)
      %eq3A_422 = arith.constant 2 : i32
      %eq3A_423 = vector.broadcast %eq3A_422 : i32 to vector<16xi32>
      %eq3A_424 = arith.cmpi eq, %iota3A, %eq3A_423 : vector<16xi32>
      %jit3A_425 = arith.constant -1 : i32
      %broadcast_in_dim3A_426 = vector.broadcast %jit3A_425 : i32 to vector<16xi32>
      %select_n3A_427 = arith.select %eq3A_424, %get3A_3, %broadcast_in_dim3A_426 : vector<16xi1>, vector<16xi32>
      %reduce_max3A_428 = arith.constant true
      %reduce_max3A_429 = vector.broadcast %reduce_max3A_428 : i1 to vector<16xi1>
      %reduce_max3A_430 = arith.constant -2147483648 : i32
      %reduce_max3A_431 = vector.broadcast %reduce_max3A_430 : i32 to vector<16xi32>
      %reduce_max3A_432 = arith.xori %select_n3A_427, %reduce_max3A_431 : vector<16xi32>
      %reduce_max3A_433 = tpu.scan <max>, %reduce_max3A_432 masked %reduce_max3A_429 : vector<16xi32>, vector<16xi1> -> vector<16xi32>
      %reduce_max3A_434 = arith.xori %reduce_max3A_433, %reduce_max3A_431 : vector<16xi32>
      %reduce_max3A_435 = vector.extract %reduce_max3A_434[15] : i32 from vector<16xi32>
      %mul3A_436 = arith.constant 28 : i32
      %mul3A_437 = arith.muli %reduce_max3A_435, %mul3A_436 : i32
      %multiple_of3A_438 = tpu.assume_multiple %mul3A_437, 28 : i32
      %dma_start3A_439 = arith.constant 0 : i32
      %dma_start3A_440 = arith.constant 0 : i32
      %dma_start3A_441 = tpu.memref_slice %arg2[%multiple_of3A_438, %dma_start3A_439, %dma_start3A_440] : memref<3472x8x224xf32, #tpu.memory_space<hbm>> -> memref<28x8x224xf32, #tpu.memory_space<hbm>>
      %dma_start3A_442 = arith.constant 0 : i32
      %dma_start3A_443 = arith.constant 0 : i32
      %dma_start3A_444 = tpu.memref_slice %arg2[%multiple_of3A_438, %dma_start3A_442, %dma_start3A_443] : memref<3472x8x224xf32, #tpu.memory_space<hbm>> -> memref<28x8x224xf32, #tpu.memory_space<hbm>>
      tpu.enqueue_dma source(%dma_start3A_444 : memref<28x8x224xf32, #tpu.memory_space<hbm>>) target(%arg6 : memref<28x8x224xf32, #tpu.memory_space<vmem>>) target_semaphore(%arg8 : memref<!tpu.dma_semaphore, #tpu.memory_space<semaphore_mem>>)
      %dma_wait3A_445 = arith.constant 0 : i32
      %dma_wait3A_446 = arith.constant 0 : i32
      %dma_wait3A_447 = tpu.memref_slice %arg2[%multiple_of3A_438, %dma_wait3A_445, %dma_wait3A_446] : memref<3472x8x224xf32, #tpu.memory_space<hbm>> -> memref<28x8x224xf32, #tpu.memory_space<hbm>>
      %dma_wait3A_448 = arith.constant 0 : i32
      %dma_wait3A_449 = arith.constant 0 : i32
      %dma_wait3A_450 = tpu.memref_slice %arg2[%multiple_of3A_438, %dma_wait3A_448, %dma_wait3A_449] : memref<3472x8x224xf32, #tpu.memory_space<hbm>> -> memref<28x8x224xf32, #tpu.memory_space<hbm>>
      tpu.wait_dma2 semaphore(%arg8 : memref<!tpu.dma_semaphore, #tpu.memory_space<semaphore_mem>>) src(%dma_wait3A_450 : memref<28x8x224xf32, #tpu.memory_space<hbm>>) dst(%arg6 : memref<28x8x224xf32, #tpu.memory_space<vmem>>)
      %eq3A_451 = arith.constant 14 : i32
      %eq3A_452 = vector.broadcast %eq3A_451 : i32 to vector<16xi32>
      %eq3A_453 = arith.cmpi eq, %iota3A, %eq3A_452 : vector<16xi32>
      %jit3A_454 = arith.constant -1 : i32
      %broadcast_in_dim3A_455 = vector.broadcast %jit3A_454 : i32 to vector<16xi32>
      %select_n3A_456 = arith.select %eq3A_453, %get3A_5, %broadcast_in_dim3A_455 : vector<16xi1>, vector<16xi32>
      %reduce_max3A_457 = arith.constant true
      %reduce_max3A_458 = vector.broadcast %reduce_max3A_457 : i1 to vector<16xi1>
      %reduce_max3A_459 = arith.constant -2147483648 : i32
      %reduce_max3A_460 = vector.broadcast %reduce_max3A_459 : i32 to vector<16xi32>
      %reduce_max3A_461 = arith.xori %select_n3A_456, %reduce_max3A_460 : vector<16xi32>
      %reduce_max3A_462 = tpu.scan <max>, %reduce_max3A_461 masked %reduce_max3A_458 : vector<16xi32>, vector<16xi1> -> vector<16xi32>
      %reduce_max3A_463 = arith.xori %reduce_max3A_462, %reduce_max3A_460 : vector<16xi32>
      %reduce_max3A_464 = vector.extract %reduce_max3A_463[15] : i32 from vector<16xi32>
      %mul3A_465 = arith.constant 28 : i32
      %mul3A_466 = arith.muli %reduce_max3A_464, %mul3A_465 : i32
      %multiple_of3A_467 = tpu.assume_multiple %mul3A_466, 28 : i32
      %dma_start3A_468 = arith.constant 0 : i32
      %dma_start3A_469 = arith.constant 0 : i32
      %dma_start3A_470 = tpu.memref_slice %arg4[%multiple_of3A_467, %dma_start3A_468, %dma_start3A_469] : memref<24304x8x224xf32, #tpu.memory_space<hbm>> -> memref<28x8x224xf32, #tpu.memory_space<hbm>>
      %dma_start3A_471 = arith.constant 0 : i32
      %dma_start3A_472 = arith.constant 0 : i32
      %dma_start3A_473 = tpu.memref_slice %arg4[%multiple_of3A_467, %dma_start3A_471, %dma_start3A_472] : memref<24304x8x224xf32, #tpu.memory_space<hbm>> -> memref<28x8x224xf32, #tpu.memory_space<hbm>>
      tpu.enqueue_dma source(%arg6 : memref<28x8x224xf32, #tpu.memory_space<vmem>>) target(%dma_start3A_473 : memref<28x8x224xf32, #tpu.memory_space<hbm>>) target_semaphore(%arg9 : memref<!tpu.dma_semaphore, #tpu.memory_space<semaphore_mem>>)
      %eq3A_474 = arith.constant 15 : i32
      %eq3A_475 = vector.broadcast %eq3A_474 : i32 to vector<16xi32>
      %eq3A_476 = arith.cmpi eq, %iota3A, %eq3A_475 : vector<16xi32>
      %jit3A_477 = arith.constant -1 : i32
      %broadcast_in_dim3A_478 = vector.broadcast %jit3A_477 : i32 to vector<16xi32>
      %select_n3A_479 = arith.select %eq3A_476, %get3A_5, %broadcast_in_dim3A_478 : vector<16xi1>, vector<16xi32>
      %reduce_max3A_480 = arith.constant true
      %reduce_max3A_481 = vector.broadcast %reduce_max3A_480 : i1 to vector<16xi1>
      %reduce_max3A_482 = arith.constant -2147483648 : i32
      %reduce_max3A_483 = vector.broadcast %reduce_max3A_482 : i32 to vector<16xi32>
      %reduce_max3A_484 = arith.xori %select_n3A_479, %reduce_max3A_483 : vector<16xi32>
      %reduce_max3A_485 = tpu.scan <max>, %reduce_max3A_484 masked %reduce_max3A_481 : vector<16xi32>, vector<16xi1> -> vector<16xi32>
      %reduce_max3A_486 = arith.xori %reduce_max3A_485, %reduce_max3A_483 : vector<16xi32>
      %reduce_max3A_487 = vector.extract %reduce_max3A_486[15] : i32 from vector<16xi32>
      %mul3A_488 = arith.constant 28 : i32
      %mul3A_489 = arith.muli %reduce_max3A_487, %mul3A_488 : i32
      %multiple_of3A_490 = tpu.assume_multiple %mul3A_489, 28 : i32
      %dma_start3A_491 = arith.constant 0 : i32
      %dma_start3A_492 = arith.constant 0 : i32
      %dma_start3A_493 = tpu.memref_slice %arg4[%multiple_of3A_490, %dma_start3A_491, %dma_start3A_492] : memref<24304x8x224xf32, #tpu.memory_space<hbm>> -> memref<28x8x224xf32, #tpu.memory_space<hbm>>
      %dma_start3A_494 = arith.constant 0 : i32
      %dma_start3A_495 = arith.constant 0 : i32
      %dma_start3A_496 = tpu.memref_slice %arg4[%multiple_of3A_490, %dma_start3A_494, %dma_start3A_495] : memref<24304x8x224xf32, #tpu.memory_space<hbm>> -> memref<28x8x224xf32, #tpu.memory_space<hbm>>
      tpu.enqueue_dma source(%arg6 : memref<28x8x224xf32, #tpu.memory_space<vmem>>) target(%dma_start3A_496 : memref<28x8x224xf32, #tpu.memory_space<hbm>>) target_semaphore(%arg9 : memref<!tpu.dma_semaphore, #tpu.memory_space<semaphore_mem>>)
      %eq3A_497 = arith.constant 0 : i32
      %eq3A_498 = vector.broadcast %eq3A_497 : i32 to vector<16xi32>
      %eq3A_499 = arith.cmpi eq, %iota3A, %eq3A_498 : vector<16xi32>
      %jit3A_500 = arith.constant -1 : i32
      %broadcast_in_dim3A_501 = vector.broadcast %jit3A_500 : i32 to vector<16xi32>
      %select_n3A_502 = arith.select %eq3A_499, %get3A_7, %broadcast_in_dim3A_501 : vector<16xi1>, vector<16xi32>
      %reduce_max3A_503 = arith.constant true
      %reduce_max3A_504 = vector.broadcast %reduce_max3A_503 : i1 to vector<16xi1>
      %reduce_max3A_505 = arith.constant -2147483648 : i32
      %reduce_max3A_506 = vector.broadcast %reduce_max3A_505 : i32 to vector<16xi32>
      %reduce_max3A_507 = arith.xori %select_n3A_502, %reduce_max3A_506 : vector<16xi32>
      %reduce_max3A_508 = tpu.scan <max>, %reduce_max3A_507 masked %reduce_max3A_504 : vector<16xi32>, vector<16xi1> -> vector<16xi32>
      %reduce_max3A_509 = arith.xori %reduce_max3A_508, %reduce_max3A_506 : vector<16xi32>
      %reduce_max3A_510 = vector.extract %reduce_max3A_509[15] : i32 from vector<16xi32>
      %mul3A_511 = arith.constant 28 : i32
      %mul3A_512 = arith.muli %reduce_max3A_510, %mul3A_511 : i32
      %multiple_of3A_513 = tpu.assume_multiple %mul3A_512, 28 : i32
      %dma_start3A_514 = arith.constant 0 : i32
      %dma_start3A_515 = arith.constant 0 : i32
      %dma_start3A_516 = tpu.memref_slice %arg4[%multiple_of3A_513, %dma_start3A_514, %dma_start3A_515] : memref<24304x8x224xf32, #tpu.memory_space<hbm>> -> memref<28x8x224xf32, #tpu.memory_space<hbm>>
      %dma_start3A_517 = arith.constant 0 : i32
      %dma_start3A_518 = arith.constant 0 : i32
      %dma_start3A_519 = tpu.memref_slice %arg4[%multiple_of3A_513, %dma_start3A_517, %dma_start3A_518] : memref<24304x8x224xf32, #tpu.memory_space<hbm>> -> memref<28x8x224xf32, #tpu.memory_space<hbm>>
      tpu.enqueue_dma source(%arg6 : memref<28x8x224xf32, #tpu.memory_space<vmem>>) target(%dma_start3A_519 : memref<28x8x224xf32, #tpu.memory_space<hbm>>) target_semaphore(%arg9 : memref<!tpu.dma_semaphore, #tpu.memory_space<semaphore_mem>>)
      %eq3A_520 = arith.constant 1 : i32
      %eq3A_521 = vector.broadcast %eq3A_520 : i32 to vector<16xi32>
      %eq3A_522 = arith.cmpi eq, %iota3A, %eq3A_521 : vector<16xi32>
      %jit3A_523 = arith.constant -1 : i32
      %broadcast_in_dim3A_524 = vector.broadcast %jit3A_523 : i32 to vector<16xi32>
      %select_n3A_525 = arith.select %eq3A_522, %get3A_7, %broadcast_in_dim3A_524 : vector<16xi1>, vector<16xi32>
      %reduce_max3A_526 = arith.constant true
      %reduce_max3A_527 = vector.broadcast %reduce_max3A_526 : i1 to vector<16xi1>
      %reduce_max3A_528 = arith.constant -2147483648 : i32
      %reduce_max3A_529 = vector.broadcast %reduce_max3A_528 : i32 to vector<16xi32>
      %reduce_max3A_530 = arith.xori %select_n3A_525, %reduce_max3A_529 : vector<16xi32>
      %reduce_max3A_531 = tpu.scan <max>, %reduce_max3A_530 masked %reduce_max3A_527 : vector<16xi32>, vector<16xi1> -> vector<16xi32>
      %reduce_max3A_532 = arith.xori %reduce_max3A_531, %reduce_max3A_529 : vector<16xi32>
      %reduce_max3A_533 = vector.extract %reduce_max3A_532[15] : i32 from vector<16xi32>
      %mul3A_534 = arith.constant 28 : i32
      %mul3A_535 = arith.muli %reduce_max3A_533, %mul3A_534 : i32
      %multiple_of3A_536 = tpu.assume_multiple %mul3A_535, 28 : i32
      %dma_start3A_537 = arith.constant 0 : i32
      %dma_start3A_538 = arith.constant 0 : i32
      %dma_start3A_539 = tpu.memref_slice %arg4[%multiple_of3A_536, %dma_start3A_537, %dma_start3A_538] : memref<24304x8x224xf32, #tpu.memory_space<hbm>> -> memref<28x8x224xf32, #tpu.memory_space<hbm>>
      %dma_start3A_540 = arith.constant 0 : i32
      %dma_start3A_541 = arith.constant 0 : i32
      %dma_start3A_542 = tpu.memref_slice %arg4[%multiple_of3A_536, %dma_start3A_540, %dma_start3A_541] : memref<24304x8x224xf32, #tpu.memory_space<hbm>> -> memref<28x8x224xf32, #tpu.memory_space<hbm>>
      tpu.enqueue_dma source(%arg6 : memref<28x8x224xf32, #tpu.memory_space<vmem>>) target(%dma_start3A_542 : memref<28x8x224xf32, #tpu.memory_space<hbm>>) target_semaphore(%arg9 : memref<!tpu.dma_semaphore, #tpu.memory_space<semaphore_mem>>)
      %eq3A_543 = arith.constant 2 : i32
      %eq3A_544 = vector.broadcast %eq3A_543 : i32 to vector<16xi32>
      %eq3A_545 = arith.cmpi eq, %iota3A, %eq3A_544 : vector<16xi32>
      %jit3A_546 = arith.constant -1 : i32
      %broadcast_in_dim3A_547 = vector.broadcast %jit3A_546 : i32 to vector<16xi32>
      %select_n3A_548 = arith.select %eq3A_545, %get3A_7, %broadcast_in_dim3A_547 : vector<16xi1>, vector<16xi32>
      %reduce_max3A_549 = arith.constant true
      %reduce_max3A_550 = vector.broadcast %reduce_max3A_549 : i1 to vector<16xi1>
      %reduce_max3A_551 = arith.constant -2147483648 : i32
      %reduce_max3A_552 = vector.broadcast %reduce_max3A_551 : i32 to vector<16xi32>
      %reduce_max3A_553 = arith.xori %select_n3A_548, %reduce_max3A_552 : vector<16xi32>
      %reduce_max3A_554 = tpu.scan <max>, %reduce_max3A_553 masked %reduce_max3A_550 : vector<16xi32>, vector<16xi1> -> vector<16xi32>
      %reduce_max3A_555 = arith.xori %reduce_max3A_554, %reduce_max3A_552 : vector<16xi32>
      %reduce_max3A_556 = vector.extract %reduce_max3A_555[15] : i32 from vector<16xi32>
      %mul3A_557 = arith.constant 28 : i32
      %mul3A_558 = arith.muli %reduce_max3A_556, %mul3A_557 : i32
      %multiple_of3A_559 = tpu.assume_multiple %mul3A_558, 28 : i32
      %dma_start3A_560 = arith.constant 0 : i32
      %dma_start3A_561 = arith.constant 0 : i32
      %dma_start3A_562 = tpu.memref_slice %arg4[%multiple_of3A_559, %dma_start3A_560, %dma_start3A_561] : memref<24304x8x224xf32, #tpu.memory_space<hbm>> -> memref<28x8x224xf32, #tpu.memory_space<hbm>>
      %dma_start3A_563 = arith.constant 0 : i32
      %dma_start3A_564 = arith.constant 0 : i32
      %dma_start3A_565 = tpu.memref_slice %arg4[%multiple_of3A_559, %dma_start3A_563, %dma_start3A_564] : memref<24304x8x224xf32, #tpu.memory_space<hbm>> -> memref<28x8x224xf32, #tpu.memory_space<hbm>>
      tpu.enqueue_dma source(%arg6 : memref<28x8x224xf32, #tpu.memory_space<vmem>>) target(%dma_start3A_565 : memref<28x8x224xf32, #tpu.memory_space<hbm>>) target_semaphore(%arg9 : memref<!tpu.dma_semaphore, #tpu.memory_space<semaphore_mem>>)
      %eq3A_566 = arith.constant 3 : i32
      %eq3A_567 = vector.broadcast %eq3A_566 : i32 to vector<16xi32>
      %eq3A_568 = arith.cmpi eq, %iota3A, %eq3A_567 : vector<16xi32>
      %jit3A_569 = arith.constant -1 : i32
      %broadcast_in_dim3A_570 = vector.broadcast %jit3A_569 : i32 to vector<16xi32>
      %select_n3A_571 = arith.select %eq3A_568, %get3A_7, %broadcast_in_dim3A_570 : vector<16xi1>, vector<16xi32>
      %reduce_max3A_572 = arith.constant true
      %reduce_max3A_573 = vector.broadcast %reduce_max3A_572 : i1 to vector<16xi1>
      %reduce_max3A_574 = arith.constant -2147483648 : i32
      %reduce_max3A_575 = vector.broadcast %reduce_max3A_574 : i32 to vector<16xi32>
      %reduce_max3A_576 = arith.xori %select_n3A_571, %reduce_max3A_575 : vector<16xi32>
      %reduce_max3A_577 = tpu.scan <max>, %reduce_max3A_576 masked %reduce_max3A_573 : vector<16xi32>, vector<16xi1> -> vector<16xi32>
      %reduce_max3A_578 = arith.xori %reduce_max3A_577, %reduce_max3A_575 : vector<16xi32>
      %reduce_max3A_579 = vector.extract %reduce_max3A_578[15] : i32 from vector<16xi32>
      %mul3A_580 = arith.constant 28 : i32
      %mul3A_581 = arith.muli %reduce_max3A_579, %mul3A_580 : i32
      %multiple_of3A_582 = tpu.assume_multiple %mul3A_581, 28 : i32
      %dma_start3A_583 = arith.constant 0 : i32
      %dma_start3A_584 = arith.constant 0 : i32
      %dma_start3A_585 = tpu.memref_slice %arg4[%multiple_of3A_582, %dma_start3A_583, %dma_start3A_584] : memref<24304x8x224xf32, #tpu.memory_space<hbm>> -> memref<28x8x224xf32, #tpu.memory_space<hbm>>
      %dma_start3A_586 = arith.constant 0 : i32
      %dma_start3A_587 = arith.constant 0 : i32
      %dma_start3A_588 = tpu.memref_slice %arg4[%multiple_of3A_582, %dma_start3A_586, %dma_start3A_587] : memref<24304x8x224xf32, #tpu.memory_space<hbm>> -> memref<28x8x224xf32, #tpu.memory_space<hbm>>
      tpu.enqueue_dma source(%arg6 : memref<28x8x224xf32, #tpu.memory_space<vmem>>) target(%dma_start3A_588 : memref<28x8x224xf32, #tpu.memory_space<hbm>>) target_semaphore(%arg9 : memref<!tpu.dma_semaphore, #tpu.memory_space<semaphore_mem>>)
      %eq3A_589 = arith.constant 4 : i32
      %eq3A_590 = vector.broadcast %eq3A_589 : i32 to vector<16xi32>
      %eq3A_591 = arith.cmpi eq, %iota3A, %eq3A_590 : vector<16xi32>
      %jit3A_592 = arith.constant -1 : i32
      %broadcast_in_dim3A_593 = vector.broadcast %jit3A_592 : i32 to vector<16xi32>
      %select_n3A_594 = arith.select %eq3A_591, %get3A_7, %broadcast_in_dim3A_593 : vector<16xi1>, vector<16xi32>
      %reduce_max3A_595 = arith.constant true
      %reduce_max3A_596 = vector.broadcast %reduce_max3A_595 : i1 to vector<16xi1>
      %reduce_max3A_597 = arith.constant -2147483648 : i32
      %reduce_max3A_598 = vector.broadcast %reduce_max3A_597 : i32 to vector<16xi32>
      %reduce_max3A_599 = arith.xori %select_n3A_594, %reduce_max3A_598 : vector<16xi32>
      %reduce_max3A_600 = tpu.scan <max>, %reduce_max3A_599 masked %reduce_max3A_596 : vector<16xi32>, vector<16xi1> -> vector<16xi32>
      %reduce_max3A_601 = arith.xori %reduce_max3A_600, %reduce_max3A_598 : vector<16xi32>
      %reduce_max3A_602 = vector.extract %reduce_max3A_601[15] : i32 from vector<16xi32>
      %mul3A_603 = arith.constant 28 : i32
      %mul3A_604 = arith.muli %reduce_max3A_602, %mul3A_603 : i32
      %multiple_of3A_605 = tpu.assume_multiple %mul3A_604, 28 : i32
      %dma_start3A_606 = arith.constant 0 : i32
      %dma_start3A_607 = arith.constant 0 : i32
      %dma_start3A_608 = tpu.memref_slice %arg4[%multiple_of3A_605, %dma_start3A_606, %dma_start3A_607] : memref<24304x8x224xf32, #tpu.memory_space<hbm>> -> memref<28x8x224xf32, #tpu.memory_space<hbm>>
      %dma_start3A_609 = arith.constant 0 : i32
      %dma_start3A_610 = arith.constant 0 : i32
      %dma_start3A_611 = tpu.memref_slice %arg4[%multiple_of3A_605, %dma_start3A_609, %dma_start3A_610] : memref<24304x8x224xf32, #tpu.memory_space<hbm>> -> memref<28x8x224xf32, #tpu.memory_space<hbm>>
      tpu.enqueue_dma source(%arg6 : memref<28x8x224xf32, #tpu.memory_space<vmem>>) target(%dma_start3A_611 : memref<28x8x224xf32, #tpu.memory_space<hbm>>) target_semaphore(%arg9 : memref<!tpu.dma_semaphore, #tpu.memory_space<semaphore_mem>>)
      %dma_wait3A_612 = arith.constant 0 : i32
      %dma_wait3A_613 = arith.constant 0 : i32
      %dma_wait3A_614 = tpu.memref_slice %arg4[%multiple_of3A_235, %dma_wait3A_612, %dma_wait3A_613] : memref<24304x8x224xf32, #tpu.memory_space<hbm>> -> memref<28x8x224xf32, #tpu.memory_space<hbm>>
      %dma_wait3A_615 = arith.constant 0 : i32
      %dma_wait3A_616 = arith.constant 0 : i32
      %dma_wait3A_617 = tpu.memref_slice %arg4[%multiple_of3A_235, %dma_wait3A_615, %dma_wait3A_616] : memref<24304x8x224xf32, #tpu.memory_space<hbm>> -> memref<28x8x224xf32, #tpu.memory_space<hbm>>
      tpu.wait_dma2 semaphore(%arg10 : memref<!tpu.dma_semaphore, #tpu.memory_space<semaphore_mem>>) src(%arg7 : memref<28x8x224xf32, #tpu.memory_space<vmem>>) dst(%dma_wait3A_617 : memref<28x8x224xf32, #tpu.memory_space<hbm>>)
      %dma_wait3A_618 = arith.constant 0 : i32
      %dma_wait3A_619 = arith.constant 0 : i32
      %dma_wait3A_620 = tpu.memref_slice %arg4[%multiple_of3A_258, %dma_wait3A_618, %dma_wait3A_619] : memref<24304x8x224xf32, #tpu.memory_space<hbm>> -> memref<28x8x224xf32, #tpu.memory_space<hbm>>
      %dma_wait3A_621 = arith.constant 0 : i32
      %dma_wait3A_622 = arith.constant 0 : i32
      %dma_wait3A_623 = tpu.memref_slice %arg4[%multiple_of3A_258, %dma_wait3A_621, %dma_wait3A_622] : memref<24304x8x224xf32, #tpu.memory_space<hbm>> -> memref<28x8x224xf32, #tpu.memory_space<hbm>>
      tpu.wait_dma2 semaphore(%arg10 : memref<!tpu.dma_semaphore, #tpu.memory_space<semaphore_mem>>) src(%arg7 : memref<28x8x224xf32, #tpu.memory_space<vmem>>) dst(%dma_wait3A_623 : memref<28x8x224xf32, #tpu.memory_space<hbm>>)
      %dma_wait3A_624 = arith.constant 0 : i32
      %dma_wait3A_625 = arith.constant 0 : i32
      %dma_wait3A_626 = tpu.memref_slice %arg4[%multiple_of3A_281, %dma_wait3A_624, %dma_wait3A_625] : memref<24304x8x224xf32, #tpu.memory_space<hbm>> -> memref<28x8x224xf32, #tpu.memory_space<hbm>>
      %dma_wait3A_627 = arith.constant 0 : i32
      %dma_wait3A_628 = arith.constant 0 : i32
      %dma_wait3A_629 = tpu.memref_slice %arg4[%multiple_of3A_281, %dma_wait3A_627, %dma_wait3A_628] : memref<24304x8x224xf32, #tpu.memory_space<hbm>> -> memref<28x8x224xf32, #tpu.memory_space<hbm>>
      tpu.wait_dma2 semaphore(%arg10 : memref<!tpu.dma_semaphore, #tpu.memory_space<semaphore_mem>>) src(%arg7 : memref<28x8x224xf32, #tpu.memory_space<vmem>>) dst(%dma_wait3A_629 : memref<28x8x224xf32, #tpu.memory_space<hbm>>)
      %dma_wait3A_630 = arith.constant 0 : i32
      %dma_wait3A_631 = arith.constant 0 : i32
      %dma_wait3A_632 = tpu.memref_slice %arg4[%multiple_of3A_304, %dma_wait3A_630, %dma_wait3A_631] : memref<24304x8x224xf32, #tpu.memory_space<hbm>> -> memref<28x8x224xf32, #tpu.memory_space<hbm>>
      %dma_wait3A_633 = arith.constant 0 : i32
      %dma_wait3A_634 = arith.constant 0 : i32
      %dma_wait3A_635 = tpu.memref_slice %arg4[%multiple_of3A_304, %dma_wait3A_633, %dma_wait3A_634] : memref<24304x8x224xf32, #tpu.memory_space<hbm>> -> memref<28x8x224xf32, #tpu.memory_space<hbm>>
      tpu.wait_dma2 semaphore(%arg10 : memref<!tpu.dma_semaphore, #tpu.memory_space<semaphore_mem>>) src(%arg7 : memref<28x8x224xf32, #tpu.memory_space<vmem>>) dst(%dma_wait3A_635 : memref<28x8x224xf32, #tpu.memory_space<hbm>>)
      %dma_wait3A_636 = arith.constant 0 : i32
      %dma_wait3A_637 = arith.constant 0 : i32
      %dma_wait3A_638 = tpu.memref_slice %arg4[%multiple_of3A_327, %dma_wait3A_636, %dma_wait3A_637] : memref<24304x8x224xf32, #tpu.memory_space<hbm>> -> memref<28x8x224xf32, #tpu.memory_space<hbm>>
      %dma_wait3A_639 = arith.constant 0 : i32
      %dma_wait3A_640 = arith.constant 0 : i32
      %dma_wait3A_641 = tpu.memref_slice %arg4[%multiple_of3A_327, %dma_wait3A_639, %dma_wait3A_640] : memref<24304x8x224xf32, #tpu.memory_space<hbm>> -> memref<28x8x224xf32, #tpu.memory_space<hbm>>
      tpu.wait_dma2 semaphore(%arg10 : memref<!tpu.dma_semaphore, #tpu.memory_space<semaphore_mem>>) src(%arg7 : memref<28x8x224xf32, #tpu.memory_space<vmem>>) dst(%dma_wait3A_641 : memref<28x8x224xf32, #tpu.memory_space<hbm>>)
      %dma_wait3A_642 = arith.constant 0 : i32
      %dma_wait3A_643 = arith.constant 0 : i32
      %dma_wait3A_644 = tpu.memref_slice %arg4[%multiple_of3A_350, %dma_wait3A_642, %dma_wait3A_643] : memref<24304x8x224xf32, #tpu.memory_space<hbm>> -> memref<28x8x224xf32, #tpu.memory_space<hbm>>
      %dma_wait3A_645 = arith.constant 0 : i32
      %dma_wait3A_646 = arith.constant 0 : i32
      %dma_wait3A_647 = tpu.memref_slice %arg4[%multiple_of3A_350, %dma_wait3A_645, %dma_wait3A_646] : memref<24304x8x224xf32, #tpu.memory_space<hbm>> -> memref<28x8x224xf32, #tpu.memory_space<hbm>>
      tpu.wait_dma2 semaphore(%arg10 : memref<!tpu.dma_semaphore, #tpu.memory_space<semaphore_mem>>) src(%arg7 : memref<28x8x224xf32, #tpu.memory_space<vmem>>) dst(%dma_wait3A_647 : memref<28x8x224xf32, #tpu.memory_space<hbm>>)
      %dma_wait3A_648 = arith.constant 0 : i32
      %dma_wait3A_649 = arith.constant 0 : i32
      %dma_wait3A_650 = tpu.memref_slice %arg4[%multiple_of3A_373, %dma_wait3A_648, %dma_wait3A_649] : memref<24304x8x224xf32, #tpu.memory_space<hbm>> -> memref<28x8x224xf32, #tpu.memory_space<hbm>>
      %dma_wait3A_651 = arith.constant 0 : i32
      %dma_wait3A_652 = arith.constant 0 : i32
      %dma_wait3A_653 = tpu.memref_slice %arg4[%multiple_of3A_373, %dma_wait3A_651, %dma_wait3A_652] : memref<24304x8x224xf32, #tpu.memory_space<hbm>> -> memref<28x8x224xf32, #tpu.memory_space<hbm>>
      tpu.wait_dma2 semaphore(%arg10 : memref<!tpu.dma_semaphore, #tpu.memory_space<semaphore_mem>>) src(%arg7 : memref<28x8x224xf32, #tpu.memory_space<vmem>>) dst(%dma_wait3A_653 : memref<28x8x224xf32, #tpu.memory_space<hbm>>)
      %eq3A_654 = arith.constant 3 : i32
      %eq3A_655 = vector.broadcast %eq3A_654 : i32 to vector<16xi32>
      %eq3A_656 = arith.cmpi eq, %iota3A, %eq3A_655 : vector<16xi32>
      %jit3A_657 = arith.constant -1 : i32
      %broadcast_in_dim3A_658 = vector.broadcast %jit3A_657 : i32 to vector<16xi32>
      %select_n3A_659 = arith.select %eq3A_656, %get3A_3, %broadcast_in_dim3A_658 : vector<16xi1>, vector<16xi32>
      %reduce_max3A_660 = arith.constant true
      %reduce_max3A_661 = vector.broadcast %reduce_max3A_660 : i1 to vector<16xi1>
      %reduce_max3A_662 = arith.constant -2147483648 : i32
      %reduce_max3A_663 = vector.broadcast %reduce_max3A_662 : i32 to vector<16xi32>
      %reduce_max3A_664 = arith.xori %select_n3A_659, %reduce_max3A_663 : vector<16xi32>
      %reduce_max3A_665 = tpu.scan <max>, %reduce_max3A_664 masked %reduce_max3A_661 : vector<16xi32>, vector<16xi1> -> vector<16xi32>
      %reduce_max3A_666 = arith.xori %reduce_max3A_665, %reduce_max3A_663 : vector<16xi32>
      %reduce_max3A_667 = vector.extract %reduce_max3A_666[15] : i32 from vector<16xi32>
      %mul3A_668 = arith.constant 28 : i32
      %mul3A_669 = arith.muli %reduce_max3A_667, %mul3A_668 : i32
      %multiple_of3A_670 = tpu.assume_multiple %mul3A_669, 28 : i32
      %dma_start3A_671 = arith.constant 0 : i32
      %dma_start3A_672 = arith.constant 0 : i32
      %dma_start3A_673 = tpu.memref_slice %arg2[%multiple_of3A_670, %dma_start3A_671, %dma_start3A_672] : memref<3472x8x224xf32, #tpu.memory_space<hbm>> -> memref<28x8x224xf32, #tpu.memory_space<hbm>>
      %dma_start3A_674 = arith.constant 0 : i32
      %dma_start3A_675 = arith.constant 0 : i32
      %dma_start3A_676 = tpu.memref_slice %arg2[%multiple_of3A_670, %dma_start3A_674, %dma_start3A_675] : memref<3472x8x224xf32, #tpu.memory_space<hbm>> -> memref<28x8x224xf32, #tpu.memory_space<hbm>>
      tpu.enqueue_dma source(%dma_start3A_676 : memref<28x8x224xf32, #tpu.memory_space<hbm>>) target(%arg7 : memref<28x8x224xf32, #tpu.memory_space<vmem>>) target_semaphore(%arg8 : memref<!tpu.dma_semaphore, #tpu.memory_space<semaphore_mem>>)
      %dma_wait3A_677 = arith.constant 0 : i32
      %dma_wait3A_678 = arith.constant 0 : i32
      %dma_wait3A_679 = tpu.memref_slice %arg2[%multiple_of3A_670, %dma_wait3A_677, %dma_wait3A_678] : memref<3472x8x224xf32, #tpu.memory_space<hbm>> -> memref<28x8x224xf32, #tpu.memory_space<hbm>>
      %dma_wait3A_680 = arith.constant 0 : i32
      %dma_wait3A_681 = arith.constant 0 : i32
      %dma_wait3A_682 = tpu.memref_slice %arg2[%multiple_of3A_670, %dma_wait3A_680, %dma_wait3A_681] : memref<3472x8x224xf32, #tpu.memory_space<hbm>> -> memref<28x8x224xf32, #tpu.memory_space<hbm>>
      tpu.wait_dma2 semaphore(%arg8 : memref<!tpu.dma_semaphore, #tpu.memory_space<semaphore_mem>>) src(%dma_wait3A_682 : memref<28x8x224xf32, #tpu.memory_space<hbm>>) dst(%arg7 : memref<28x8x224xf32, #tpu.memory_space<vmem>>)
      %eq3A_683 = arith.constant 5 : i32
      %eq3A_684 = vector.broadcast %eq3A_683 : i32 to vector<16xi32>
      %eq3A_685 = arith.cmpi eq, %iota3A, %eq3A_684 : vector<16xi32>
      %jit3A_686 = arith.constant -1 : i32
      %broadcast_in_dim3A_687 = vector.broadcast %jit3A_686 : i32 to vector<16xi32>
      %select_n3A_688 = arith.select %eq3A_685, %get3A_7, %broadcast_in_dim3A_687 : vector<16xi1>, vector<16xi32>
      %reduce_max3A_689 = arith.constant true
      %reduce_max3A_690 = vector.broadcast %reduce_max3A_689 : i1 to vector<16xi1>
      %reduce_max3A_691 = arith.constant -2147483648 : i32
      %reduce_max3A_692 = vector.broadcast %reduce_max3A_691 : i32 to vector<16xi32>
      %reduce_max3A_693 = arith.xori %select_n3A_688, %reduce_max3A_692 : vector<16xi32>
      %reduce_max3A_694 = tpu.scan <max>, %reduce_max3A_693 masked %reduce_max3A_690 : vector<16xi32>, vector<16xi1> -> vector<16xi32>
      %reduce_max3A_695 = arith.xori %reduce_max3A_694, %reduce_max3A_692 : vector<16xi32>
      %reduce_max3A_696 = vector.extract %reduce_max3A_695[15] : i32 from vector<16xi32>
      %mul3A_697 = arith.constant 28 : i32
      %mul3A_698 = arith.muli %reduce_max3A_696, %mul3A_697 : i32
      %multiple_of3A_699 = tpu.assume_multiple %mul3A_698, 28 : i32
      %dma_start3A_700 = arith.constant 0 : i32
      %dma_start3A_701 = arith.constant 0 : i32
      %dma_start3A_702 = tpu.memref_slice %arg4[%multiple_of3A_699, %dma_start3A_700, %dma_start3A_701] : memref<24304x8x224xf32, #tpu.memory_space<hbm>> -> memref<28x8x224xf32, #tpu.memory_space<hbm>>
      %dma_start3A_703 = arith.constant 0 : i32
      %dma_start3A_704 = arith.constant 0 : i32
      %dma_start3A_705 = tpu.memref_slice %arg4[%multiple_of3A_699, %dma_start3A_703, %dma_start3A_704] : memref<24304x8x224xf32, #tpu.memory_space<hbm>> -> memref<28x8x224xf32, #tpu.memory_space<hbm>>
      tpu.enqueue_dma source(%arg7 : memref<28x8x224xf32, #tpu.memory_space<vmem>>) target(%dma_start3A_705 : memref<28x8x224xf32, #tpu.memory_space<hbm>>) target_semaphore(%arg10 : memref<!tpu.dma_semaphore, #tpu.memory_space<semaphore_mem>>)
      %eq3A_706 = arith.constant 6 : i32
      %eq3A_707 = vector.broadcast %eq3A_706 : i32 to vector<16xi32>
      %eq3A_708 = arith.cmpi eq, %iota3A, %eq3A_707 : vector<16xi32>
      %jit3A_709 = arith.constant -1 : i32
      %broadcast_in_dim3A_710 = vector.broadcast %jit3A_709 : i32 to vector<16xi32>
      %select_n3A_711 = arith.select %eq3A_708, %get3A_7, %broadcast_in_dim3A_710 : vector<16xi1>, vector<16xi32>
      %reduce_max3A_712 = arith.constant true
      %reduce_max3A_713 = vector.broadcast %reduce_max3A_712 : i1 to vector<16xi1>
      %reduce_max3A_714 = arith.constant -2147483648 : i32
      %reduce_max3A_715 = vector.broadcast %reduce_max3A_714 : i32 to vector<16xi32>
      %reduce_max3A_716 = arith.xori %select_n3A_711, %reduce_max3A_715 : vector<16xi32>
      %reduce_max3A_717 = tpu.scan <max>, %reduce_max3A_716 masked %reduce_max3A_713 : vector<16xi32>, vector<16xi1> -> vector<16xi32>
      %reduce_max3A_718 = arith.xori %reduce_max3A_717, %reduce_max3A_715 : vector<16xi32>
      %reduce_max3A_719 = vector.extract %reduce_max3A_718[15] : i32 from vector<16xi32>
      %mul3A_720 = arith.constant 28 : i32
      %mul3A_721 = arith.muli %reduce_max3A_719, %mul3A_720 : i32
      %multiple_of3A_722 = tpu.assume_multiple %mul3A_721, 28 : i32
      %dma_start3A_723 = arith.constant 0 : i32
      %dma_start3A_724 = arith.constant 0 : i32
      %dma_start3A_725 = tpu.memref_slice %arg4[%multiple_of3A_722, %dma_start3A_723, %dma_start3A_724] : memref<24304x8x224xf32, #tpu.memory_space<hbm>> -> memref<28x8x224xf32, #tpu.memory_space<hbm>>
      %dma_start3A_726 = arith.constant 0 : i32
      %dma_start3A_727 = arith.constant 0 : i32
      %dma_start3A_728 = tpu.memref_slice %arg4[%multiple_of3A_722, %dma_start3A_726, %dma_start3A_727] : memref<24304x8x224xf32, #tpu.memory_space<hbm>> -> memref<28x8x224xf32, #tpu.memory_space<hbm>>
      tpu.enqueue_dma source(%arg7 : memref<28x8x224xf32, #tpu.memory_space<vmem>>) target(%dma_start3A_728 : memref<28x8x224xf32, #tpu.memory_space<hbm>>) target_semaphore(%arg10 : memref<!tpu.dma_semaphore, #tpu.memory_space<semaphore_mem>>)
      %eq3A_729 = arith.constant 7 : i32
      %eq3A_730 = vector.broadcast %eq3A_729 : i32 to vector<16xi32>
      %eq3A_731 = arith.cmpi eq, %iota3A, %eq3A_730 : vector<16xi32>
      %jit3A_732 = arith.constant -1 : i32
      %broadcast_in_dim3A_733 = vector.broadcast %jit3A_732 : i32 to vector<16xi32>
      %select_n3A_734 = arith.select %eq3A_731, %get3A_7, %broadcast_in_dim3A_733 : vector<16xi1>, vector<16xi32>
      %reduce_max3A_735 = arith.constant true
      %reduce_max3A_736 = vector.broadcast %reduce_max3A_735 : i1 to vector<16xi1>
      %reduce_max3A_737 = arith.constant -2147483648 : i32
      %reduce_max3A_738 = vector.broadcast %reduce_max3A_737 : i32 to vector<16xi32>
      %reduce_max3A_739 = arith.xori %select_n3A_734, %reduce_max3A_738 : vector<16xi32>
      %reduce_max3A_740 = tpu.scan <max>, %reduce_max3A_739 masked %reduce_max3A_736 : vector<16xi32>, vector<16xi1> -> vector<16xi32>
      %reduce_max3A_741 = arith.xori %reduce_max3A_740, %reduce_max3A_738 : vector<16xi32>
      %reduce_max3A_742 = vector.extract %reduce_max3A_741[15] : i32 from vector<16xi32>
      %mul3A_743 = arith.constant 28 : i32
      %mul3A_744 = arith.muli %reduce_max3A_742, %mul3A_743 : i32
      %multiple_of3A_745 = tpu.assume_multiple %mul3A_744, 28 : i32
      %dma_start3A_746 = arith.constant 0 : i32
      %dma_start3A_747 = arith.constant 0 : i32
      %dma_start3A_748 = tpu.memref_slice %arg4[%multiple_of3A_745, %dma_start3A_746, %dma_start3A_747] : memref<24304x8x224xf32, #tpu.memory_space<hbm>> -> memref<28x8x224xf32, #tpu.memory_space<hbm>>
      %dma_start3A_749 = arith.constant 0 : i32
      %dma_start3A_750 = arith.constant 0 : i32
      %dma_start3A_751 = tpu.memref_slice %arg4[%multiple_of3A_745, %dma_start3A_749, %dma_start3A_750] : memref<24304x8x224xf32, #tpu.memory_space<hbm>> -> memref<28x8x224xf32, #tpu.memory_space<hbm>>
      tpu.enqueue_dma source(%arg7 : memref<28x8x224xf32, #tpu.memory_space<vmem>>) target(%dma_start3A_751 : memref<28x8x224xf32, #tpu.memory_space<hbm>>) target_semaphore(%arg10 : memref<!tpu.dma_semaphore, #tpu.memory_space<semaphore_mem>>)
      %eq3A_752 = arith.constant 8 : i32
      %eq3A_753 = vector.broadcast %eq3A_752 : i32 to vector<16xi32>
      %eq3A_754 = arith.cmpi eq, %iota3A, %eq3A_753 : vector<16xi32>
      %jit3A_755 = arith.constant -1 : i32
      %broadcast_in_dim3A_756 = vector.broadcast %jit3A_755 : i32 to vector<16xi32>
      %select_n3A_757 = arith.select %eq3A_754, %get3A_7, %broadcast_in_dim3A_756 : vector<16xi1>, vector<16xi32>
      %reduce_max3A_758 = arith.constant true
      %reduce_max3A_759 = vector.broadcast %reduce_max3A_758 : i1 to vector<16xi1>
      %reduce_max3A_760 = arith.constant -2147483648 : i32
      %reduce_max3A_761 = vector.broadcast %reduce_max3A_760 : i32 to vector<16xi32>
      %reduce_max3A_762 = arith.xori %select_n3A_757, %reduce_max3A_761 : vector<16xi32>
      %reduce_max3A_763 = tpu.scan <max>, %reduce_max3A_762 masked %reduce_max3A_759 : vector<16xi32>, vector<16xi1> -> vector<16xi32>
      %reduce_max3A_764 = arith.xori %reduce_max3A_763, %reduce_max3A_761 : vector<16xi32>
      %reduce_max3A_765 = vector.extract %reduce_max3A_764[15] : i32 from vector<16xi32>
      %mul3A_766 = arith.constant 28 : i32
      %mul3A_767 = arith.muli %reduce_max3A_765, %mul3A_766 : i32
      %multiple_of3A_768 = tpu.assume_multiple %mul3A_767, 28 : i32
      %dma_start3A_769 = arith.constant 0 : i32
      %dma_start3A_770 = arith.constant 0 : i32
      %dma_start3A_771 = tpu.memref_slice %arg4[%multiple_of3A_768, %dma_start3A_769, %dma_start3A_770] : memref<24304x8x224xf32, #tpu.memory_space<hbm>> -> memref<28x8x224xf32, #tpu.memory_space<hbm>>
      %dma_start3A_772 = arith.constant 0 : i32
      %dma_start3A_773 = arith.constant 0 : i32
      %dma_start3A_774 = tpu.memref_slice %arg4[%multiple_of3A_768, %dma_start3A_772, %dma_start3A_773] : memref<24304x8x224xf32, #tpu.memory_space<hbm>> -> memref<28x8x224xf32, #tpu.memory_space<hbm>>
      tpu.enqueue_dma source(%arg7 : memref<28x8x224xf32, #tpu.memory_space<vmem>>) target(%dma_start3A_774 : memref<28x8x224xf32, #tpu.memory_space<hbm>>) target_semaphore(%arg10 : memref<!tpu.dma_semaphore, #tpu.memory_space<semaphore_mem>>)
      %eq3A_775 = arith.constant 9 : i32
      %eq3A_776 = vector.broadcast %eq3A_775 : i32 to vector<16xi32>
      %eq3A_777 = arith.cmpi eq, %iota3A, %eq3A_776 : vector<16xi32>
      %jit3A_778 = arith.constant -1 : i32
      %broadcast_in_dim3A_779 = vector.broadcast %jit3A_778 : i32 to vector<16xi32>
      %select_n3A_780 = arith.select %eq3A_777, %get3A_7, %broadcast_in_dim3A_779 : vector<16xi1>, vector<16xi32>
      %reduce_max3A_781 = arith.constant true
      %reduce_max3A_782 = vector.broadcast %reduce_max3A_781 : i1 to vector<16xi1>
      %reduce_max3A_783 = arith.constant -2147483648 : i32
      %reduce_max3A_784 = vector.broadcast %reduce_max3A_783 : i32 to vector<16xi32>
      %reduce_max3A_785 = arith.xori %select_n3A_780, %reduce_max3A_784 : vector<16xi32>
      %reduce_max3A_786 = tpu.scan <max>, %reduce_max3A_785 masked %reduce_max3A_782 : vector<16xi32>, vector<16xi1> -> vector<16xi32>
      %reduce_max3A_787 = arith.xori %reduce_max3A_786, %reduce_max3A_784 : vector<16xi32>
      %reduce_max3A_788 = vector.extract %reduce_max3A_787[15] : i32 from vector<16xi32>
      %mul3A_789 = arith.constant 28 : i32
      %mul3A_790 = arith.muli %reduce_max3A_788, %mul3A_789 : i32
      %multiple_of3A_791 = tpu.assume_multiple %mul3A_790, 28 : i32
      %dma_start3A_792 = arith.constant 0 : i32
      %dma_start3A_793 = arith.constant 0 : i32
      %dma_start3A_794 = tpu.memref_slice %arg4[%multiple_of3A_791, %dma_start3A_792, %dma_start3A_793] : memref<24304x8x224xf32, #tpu.memory_space<hbm>> -> memref<28x8x224xf32, #tpu.memory_space<hbm>>
      %dma_start3A_795 = arith.constant 0 : i32
      %dma_start3A_796 = arith.constant 0 : i32
      %dma_start3A_797 = tpu.memref_slice %arg4[%multiple_of3A_791, %dma_start3A_795, %dma_start3A_796] : memref<24304x8x224xf32, #tpu.memory_space<hbm>> -> memref<28x8x224xf32, #tpu.memory_space<hbm>>
      tpu.enqueue_dma source(%arg7 : memref<28x8x224xf32, #tpu.memory_space<vmem>>) target(%dma_start3A_797 : memref<28x8x224xf32, #tpu.memory_space<hbm>>) target_semaphore(%arg10 : memref<!tpu.dma_semaphore, #tpu.memory_space<semaphore_mem>>)
      %eq3A_798 = arith.constant 10 : i32
      %eq3A_799 = vector.broadcast %eq3A_798 : i32 to vector<16xi32>
      %eq3A_800 = arith.cmpi eq, %iota3A, %eq3A_799 : vector<16xi32>
      %jit3A_801 = arith.constant -1 : i32
      %broadcast_in_dim3A_802 = vector.broadcast %jit3A_801 : i32 to vector<16xi32>
      %select_n3A_803 = arith.select %eq3A_800, %get3A_7, %broadcast_in_dim3A_802 : vector<16xi1>, vector<16xi32>
      %reduce_max3A_804 = arith.constant true
      %reduce_max3A_805 = vector.broadcast %reduce_max3A_804 : i1 to vector<16xi1>
      %reduce_max3A_806 = arith.constant -2147483648 : i32
      %reduce_max3A_807 = vector.broadcast %reduce_max3A_806 : i32 to vector<16xi32>
      %reduce_max3A_808 = arith.xori %select_n3A_803, %reduce_max3A_807 : vector<16xi32>
      %reduce_max3A_809 = tpu.scan <max>, %reduce_max3A_808 masked %reduce_max3A_805 : vector<16xi32>, vector<16xi1> -> vector<16xi32>
      %reduce_max3A_810 = arith.xori %reduce_max3A_809, %reduce_max3A_807 : vector<16xi32>
      %reduce_max3A_811 = vector.extract %reduce_max3A_810[15] : i32 from vector<16xi32>
      %mul3A_812 = arith.constant 28 : i32
      %mul3A_813 = arith.muli %reduce_max3A_811, %mul3A_812 : i32
      %multiple_of3A_814 = tpu.assume_multiple %mul3A_813, 28 : i32
      %dma_start3A_815 = arith.constant 0 : i32
      %dma_start3A_816 = arith.constant 0 : i32
      %dma_start3A_817 = tpu.memref_slice %arg4[%multiple_of3A_814, %dma_start3A_815, %dma_start3A_816] : memref<24304x8x224xf32, #tpu.memory_space<hbm>> -> memref<28x8x224xf32, #tpu.memory_space<hbm>>
      %dma_start3A_818 = arith.constant 0 : i32
      %dma_start3A_819 = arith.constant 0 : i32
      %dma_start3A_820 = tpu.memref_slice %arg4[%multiple_of3A_814, %dma_start3A_818, %dma_start3A_819] : memref<24304x8x224xf32, #tpu.memory_space<hbm>> -> memref<28x8x224xf32, #tpu.memory_space<hbm>>
      tpu.enqueue_dma source(%arg7 : memref<28x8x224xf32, #tpu.memory_space<vmem>>) target(%dma_start3A_820 : memref<28x8x224xf32, #tpu.memory_space<hbm>>) target_semaphore(%arg10 : memref<!tpu.dma_semaphore, #tpu.memory_space<semaphore_mem>>)
      %eq3A_821 = arith.constant 11 : i32
      %eq3A_822 = vector.broadcast %eq3A_821 : i32 to vector<16xi32>
      %eq3A_823 = arith.cmpi eq, %iota3A, %eq3A_822 : vector<16xi32>
      %jit3A_824 = arith.constant -1 : i32
      %broadcast_in_dim3A_825 = vector.broadcast %jit3A_824 : i32 to vector<16xi32>
      %select_n3A_826 = arith.select %eq3A_823, %get3A_7, %broadcast_in_dim3A_825 : vector<16xi1>, vector<16xi32>
      %reduce_max3A_827 = arith.constant true
      %reduce_max3A_828 = vector.broadcast %reduce_max3A_827 : i1 to vector<16xi1>
      %reduce_max3A_829 = arith.constant -2147483648 : i32
      %reduce_max3A_830 = vector.broadcast %reduce_max3A_829 : i32 to vector<16xi32>
      %reduce_max3A_831 = arith.xori %select_n3A_826, %reduce_max3A_830 : vector<16xi32>
      %reduce_max3A_832 = tpu.scan <max>, %reduce_max3A_831 masked %reduce_max3A_828 : vector<16xi32>, vector<16xi1> -> vector<16xi32>
      %reduce_max3A_833 = arith.xori %reduce_max3A_832, %reduce_max3A_830 : vector<16xi32>
      %reduce_max3A_834 = vector.extract %reduce_max3A_833[15] : i32 from vector<16xi32>
      %mul3A_835 = arith.constant 28 : i32
      %mul3A_836 = arith.muli %reduce_max3A_834, %mul3A_835 : i32
      %multiple_of3A_837 = tpu.assume_multiple %mul3A_836, 28 : i32
      %dma_start3A_838 = arith.constant 0 : i32
      %dma_start3A_839 = arith.constant 0 : i32
      %dma_start3A_840 = tpu.memref_slice %arg4[%multiple_of3A_837, %dma_start3A_838, %dma_start3A_839] : memref<24304x8x224xf32, #tpu.memory_space<hbm>> -> memref<28x8x224xf32, #tpu.memory_space<hbm>>
      %dma_start3A_841 = arith.constant 0 : i32
      %dma_start3A_842 = arith.constant 0 : i32
      %dma_start3A_843 = tpu.memref_slice %arg4[%multiple_of3A_837, %dma_start3A_841, %dma_start3A_842] : memref<24304x8x224xf32, #tpu.memory_space<hbm>> -> memref<28x8x224xf32, #tpu.memory_space<hbm>>
      tpu.enqueue_dma source(%arg7 : memref<28x8x224xf32, #tpu.memory_space<vmem>>) target(%dma_start3A_843 : memref<28x8x224xf32, #tpu.memory_space<hbm>>) target_semaphore(%arg10 : memref<!tpu.dma_semaphore, #tpu.memory_space<semaphore_mem>>)
      %dma_wait3A_844 = arith.constant 0 : i32
      %dma_wait3A_845 = arith.constant 0 : i32
      %dma_wait3A_846 = tpu.memref_slice %arg4[%multiple_of3A_467, %dma_wait3A_844, %dma_wait3A_845] : memref<24304x8x224xf32, #tpu.memory_space<hbm>> -> memref<28x8x224xf32, #tpu.memory_space<hbm>>
      %dma_wait3A_847 = arith.constant 0 : i32
      %dma_wait3A_848 = arith.constant 0 : i32
      %dma_wait3A_849 = tpu.memref_slice %arg4[%multiple_of3A_467, %dma_wait3A_847, %dma_wait3A_848] : memref<24304x8x224xf32, #tpu.memory_space<hbm>> -> memref<28x8x224xf32, #tpu.memory_space<hbm>>
      tpu.wait_dma2 semaphore(%arg9 : memref<!tpu.dma_semaphore, #tpu.memory_space<semaphore_mem>>) src(%arg6 : memref<28x8x224xf32, #tpu.memory_space<vmem>>) dst(%dma_wait3A_849 : memref<28x8x224xf32, #tpu.memory_space<hbm>>)
      %dma_wait3A_850 = arith.constant 0 : i32
      %dma_wait3A_851 = arith.constant 0 : i32
      %dma_wait3A_852 = tpu.memref_slice %arg4[%multiple_of3A_490, %dma_wait3A_850, %dma_wait3A_851] : memref<24304x8x224xf32, #tpu.memory_space<hbm>> -> memref<28x8x224xf32, #tpu.memory_space<hbm>>
      %dma_wait3A_853 = arith.constant 0 : i32
      %dma_wait3A_854 = arith.constant 0 : i32
      %dma_wait3A_855 = tpu.memref_slice %arg4[%multiple_of3A_490, %dma_wait3A_853, %dma_wait3A_854] : memref<24304x8x224xf32, #tpu.memory_space<hbm>> -> memref<28x8x224xf32, #tpu.memory_space<hbm>>
      tpu.wait_dma2 semaphore(%arg9 : memref<!tpu.dma_semaphore, #tpu.memory_space<semaphore_mem>>) src(%arg6 : memref<28x8x224xf32, #tpu.memory_space<vmem>>) dst(%dma_wait3A_855 : memref<28x8x224xf32, #tpu.memory_space<hbm>>)
      %dma_wait3A_856 = arith.constant 0 : i32
      %dma_wait3A_857 = arith.constant 0 : i32
      %dma_wait3A_858 = tpu.memref_slice %arg4[%multiple_of3A_513, %dma_wait3A_856, %dma_wait3A_857] : memref<24304x8x224xf32, #tpu.memory_space<hbm>> -> memref<28x8x224xf32, #tpu.memory_space<hbm>>
      %dma_wait3A_859 = arith.constant 0 : i32
      %dma_wait3A_860 = arith.constant 0 : i32
      %dma_wait3A_861 = tpu.memref_slice %arg4[%multiple_of3A_513, %dma_wait3A_859, %dma_wait3A_860] : memref<24304x8x224xf32, #tpu.memory_space<hbm>> -> memref<28x8x224xf32, #tpu.memory_space<hbm>>
      tpu.wait_dma2 semaphore(%arg9 : memref<!tpu.dma_semaphore, #tpu.memory_space<semaphore_mem>>) src(%arg6 : memref<28x8x224xf32, #tpu.memory_space<vmem>>) dst(%dma_wait3A_861 : memref<28x8x224xf32, #tpu.memory_space<hbm>>)
      %dma_wait3A_862 = arith.constant 0 : i32
      %dma_wait3A_863 = arith.constant 0 : i32
      %dma_wait3A_864 = tpu.memref_slice %arg4[%multiple_of3A_536, %dma_wait3A_862, %dma_wait3A_863] : memref<24304x8x224xf32, #tpu.memory_space<hbm>> -> memref<28x8x224xf32, #tpu.memory_space<hbm>>
      %dma_wait3A_865 = arith.constant 0 : i32
      %dma_wait3A_866 = arith.constant 0 : i32
      %dma_wait3A_867 = tpu.memref_slice %arg4[%multiple_of3A_536, %dma_wait3A_865, %dma_wait3A_866] : memref<24304x8x224xf32, #tpu.memory_space<hbm>> -> memref<28x8x224xf32, #tpu.memory_space<hbm>>
      tpu.wait_dma2 semaphore(%arg9 : memref<!tpu.dma_semaphore, #tpu.memory_space<semaphore_mem>>) src(%arg6 : memref<28x8x224xf32, #tpu.memory_space<vmem>>) dst(%dma_wait3A_867 : memref<28x8x224xf32, #tpu.memory_space<hbm>>)
      %dma_wait3A_868 = arith.constant 0 : i32
      %dma_wait3A_869 = arith.constant 0 : i32
      %dma_wait3A_870 = tpu.memref_slice %arg4[%multiple_of3A_559, %dma_wait3A_868, %dma_wait3A_869] : memref<24304x8x224xf32, #tpu.memory_space<hbm>> -> memref<28x8x224xf32, #tpu.memory_space<hbm>>
      %dma_wait3A_871 = arith.constant 0 : i32
      %dma_wait3A_872 = arith.constant 0 : i32
      %dma_wait3A_873 = tpu.memref_slice %arg4[%multiple_of3A_559, %dma_wait3A_871, %dma_wait3A_872] : memref<24304x8x224xf32, #tpu.memory_space<hbm>> -> memref<28x8x224xf32, #tpu.memory_space<hbm>>
      tpu.wait_dma2 semaphore(%arg9 : memref<!tpu.dma_semaphore, #tpu.memory_space<semaphore_mem>>) src(%arg6 : memref<28x8x224xf32, #tpu.memory_space<vmem>>) dst(%dma_wait3A_873 : memref<28x8x224xf32, #tpu.memory_space<hbm>>)
      %dma_wait3A_874 = arith.constant 0 : i32
      %dma_wait3A_875 = arith.constant 0 : i32
      %dma_wait3A_876 = tpu.memref_slice %arg4[%multiple_of3A_582, %dma_wait3A_874, %dma_wait3A_875] : memref<24304x8x224xf32, #tpu.memory_space<hbm>> -> memref<28x8x224xf32, #tpu.memory_space<hbm>>
      %dma_wait3A_877 = arith.constant 0 : i32
      %dma_wait3A_878 = arith.constant 0 : i32
      %dma_wait3A_879 = tpu.memref_slice %arg4[%multiple_of3A_582, %dma_wait3A_877, %dma_wait3A_878] : memref<24304x8x224xf32, #tpu.memory_space<hbm>> -> memref<28x8x224xf32, #tpu.memory_space<hbm>>
      tpu.wait_dma2 semaphore(%arg9 : memref<!tpu.dma_semaphore, #tpu.memory_space<semaphore_mem>>) src(%arg6 : memref<28x8x224xf32, #tpu.memory_space<vmem>>) dst(%dma_wait3A_879 : memref<28x8x224xf32, #tpu.memory_space<hbm>>)
      %dma_wait3A_880 = arith.constant 0 : i32
      %dma_wait3A_881 = arith.constant 0 : i32
      %dma_wait3A_882 = tpu.memref_slice %arg4[%multiple_of3A_605, %dma_wait3A_880, %dma_wait3A_881] : memref<24304x8x224xf32, #tpu.memory_space<hbm>> -> memref<28x8x224xf32, #tpu.memory_space<hbm>>
      %dma_wait3A_883 = arith.constant 0 : i32
      %dma_wait3A_884 = arith.constant 0 : i32
      %dma_wait3A_885 = tpu.memref_slice %arg4[%multiple_of3A_605, %dma_wait3A_883, %dma_wait3A_884] : memref<24304x8x224xf32, #tpu.memory_space<hbm>> -> memref<28x8x224xf32, #tpu.memory_space<hbm>>
      tpu.wait_dma2 semaphore(%arg9 : memref<!tpu.dma_semaphore, #tpu.memory_space<semaphore_mem>>) src(%arg6 : memref<28x8x224xf32, #tpu.memory_space<vmem>>) dst(%dma_wait3A_885 : memref<28x8x224xf32, #tpu.memory_space<hbm>>)
      %dma_wait3A_886 = arith.constant 0 : i32
      %dma_wait3A_887 = arith.constant 0 : i32
      %dma_wait3A_888 = tpu.memref_slice %arg4[%multiple_of3A_699, %dma_wait3A_886, %dma_wait3A_887] : memref<24304x8x224xf32, #tpu.memory_space<hbm>> -> memref<28x8x224xf32, #tpu.memory_space<hbm>>
      %dma_wait3A_889 = arith.constant 0 : i32
      %dma_wait3A_890 = arith.constant 0 : i32
      %dma_wait3A_891 = tpu.memref_slice %arg4[%multiple_of3A_699, %dma_wait3A_889, %dma_wait3A_890] : memref<24304x8x224xf32, #tpu.memory_space<hbm>> -> memref<28x8x224xf32, #tpu.memory_space<hbm>>
      tpu.wait_dma2 semaphore(%arg10 : memref<!tpu.dma_semaphore, #tpu.memory_space<semaphore_mem>>) src(%arg7 : memref<28x8x224xf32, #tpu.memory_space<vmem>>) dst(%dma_wait3A_891 : memref<28x8x224xf32, #tpu.memory_space<hbm>>)
      %dma_wait3A_892 = arith.constant 0 : i32
      %dma_wait3A_893 = arith.constant 0 : i32
      %dma_wait3A_894 = tpu.memref_slice %arg4[%multiple_of3A_722, %dma_wait3A_892, %dma_wait3A_893] : memref<24304x8x224xf32, #tpu.memory_space<hbm>> -> memref<28x8x224xf32, #tpu.memory_space<hbm>>
      %dma_wait3A_895 = arith.constant 0 : i32
      %dma_wait3A_896 = arith.constant 0 : i32
      %dma_wait3A_897 = tpu.memref_slice %arg4[%multiple_of3A_722, %dma_wait3A_895, %dma_wait3A_896] : memref<24304x8x224xf32, #tpu.memory_space<hbm>> -> memref<28x8x224xf32, #tpu.memory_space<hbm>>
      tpu.wait_dma2 semaphore(%arg10 : memref<!tpu.dma_semaphore, #tpu.memory_space<semaphore_mem>>) src(%arg7 : memref<28x8x224xf32, #tpu.memory_space<vmem>>) dst(%dma_wait3A_897 : memref<28x8x224xf32, #tpu.memory_space<hbm>>)
      %dma_wait3A_898 = arith.constant 0 : i32
      %dma_wait3A_899 = arith.constant 0 : i32
      %dma_wait3A_900 = tpu.memref_slice %arg4[%multiple_of3A_745, %dma_wait3A_898, %dma_wait3A_899] : memref<24304x8x224xf32, #tpu.memory_space<hbm>> -> memref<28x8x224xf32, #tpu.memory_space<hbm>>
      %dma_wait3A_901 = arith.constant 0 : i32
      %dma_wait3A_902 = arith.constant 0 : i32
      %dma_wait3A_903 = tpu.memref_slice %arg4[%multiple_of3A_745, %dma_wait3A_901, %dma_wait3A_902] : memref<24304x8x224xf32, #tpu.memory_space<hbm>> -> memref<28x8x224xf32, #tpu.memory_space<hbm>>
      tpu.wait_dma2 semaphore(%arg10 : memref<!tpu.dma_semaphore, #tpu.memory_space<semaphore_mem>>) src(%arg7 : memref<28x8x224xf32, #tpu.memory_space<vmem>>) dst(%dma_wait3A_903 : memref<28x8x224xf32, #tpu.memory_space<hbm>>)
      %dma_wait3A_904 = arith.constant 0 : i32
      %dma_wait3A_905 = arith.constant 0 : i32
      %dma_wait3A_906 = tpu.memref_slice %arg4[%multiple_of3A_768, %dma_wait3A_904, %dma_wait3A_905] : memref<24304x8x224xf32, #tpu.memory_space<hbm>> -> memref<28x8x224xf32, #tpu.memory_space<hbm>>
      %dma_wait3A_907 = arith.constant 0 : i32
      %dma_wait3A_908 = arith.constant 0 : i32
      %dma_wait3A_909 = tpu.memref_slice %arg4[%multiple_of3A_768, %dma_wait3A_907, %dma_wait3A_908] : memref<24304x8x224xf32, #tpu.memory_space<hbm>> -> memref<28x8x224xf32, #tpu.memory_space<hbm>>
      tpu.wait_dma2 semaphore(%arg10 : memref<!tpu.dma_semaphore, #tpu.memory_space<semaphore_mem>>) src(%arg7 : memref<28x8x224xf32, #tpu.memory_space<vmem>>) dst(%dma_wait3A_909 : memref<28x8x224xf32, #tpu.memory_space<hbm>>)
      %dma_wait3A_910 = arith.constant 0 : i32
      %dma_wait3A_911 = arith.constant 0 : i32
      %dma_wait3A_912 = tpu.memref_slice %arg4[%multiple_of3A_791, %dma_wait3A_910, %dma_wait3A_911] : memref<24304x8x224xf32, #tpu.memory_space<hbm>> -> memref<28x8x224xf32, #tpu.memory_space<hbm>>
      %dma_wait3A_913 = arith.constant 0 : i32
      %dma_wait3A_914 = arith.constant 0 : i32
      %dma_wait3A_915 = tpu.memref_slice %arg4[%multiple_of3A_791, %dma_wait3A_913, %dma_wait3A_914] : memref<24304x8x224xf32, #tpu.memory_space<hbm>> -> memref<28x8x224xf32, #tpu.memory_space<hbm>>
      tpu.wait_dma2 semaphore(%arg10 : memref<!tpu.dma_semaphore, #tpu.memory_space<semaphore_mem>>) src(%arg7 : memref<28x8x224xf32, #tpu.memory_space<vmem>>) dst(%dma_wait3A_915 : memref<28x8x224xf32, #tpu.memory_space<hbm>>)
      %dma_wait3A_916 = arith.constant 0 : i32
      %dma_wait3A_917 = arith.constant 0 : i32
      %dma_wait3A_918 = tpu.memref_slice %arg4[%multiple_of3A_814, %dma_wait3A_916, %dma_wait3A_917] : memref<24304x8x224xf32, #tpu.memory_space<hbm>> -> memref<28x8x224xf32, #tpu.memory_space<hbm>>
      %dma_wait3A_919 = arith.constant 0 : i32
      %dma_wait3A_920 = arith.constant 0 : i32
      %dma_wait3A_921 = tpu.memref_slice %arg4[%multiple_of3A_814, %dma_wait3A_919, %dma_wait3A_920] : memref<24304x8x224xf32, #tpu.memory_space<hbm>> -> memref<28x8x224xf32, #tpu.memory_space<hbm>>
      tpu.wait_dma2 semaphore(%arg10 : memref<!tpu.dma_semaphore, #tpu.memory_space<semaphore_mem>>) src(%arg7 : memref<28x8x224xf32, #tpu.memory_space<vmem>>) dst(%dma_wait3A_921 : memref<28x8x224xf32, #tpu.memory_space<hbm>>)
      %dma_wait3A_922 = arith.constant 0 : i32
      %dma_wait3A_923 = arith.constant 0 : i32
      %dma_wait3A_924 = tpu.memref_slice %arg4[%multiple_of3A_837, %dma_wait3A_922, %dma_wait3A_923] : memref<24304x8x224xf32, #tpu.memory_space<hbm>> -> memref<28x8x224xf32, #tpu.memory_space<hbm>>
      %dma_wait3A_925 = arith.constant 0 : i32
      %dma_wait3A_926 = arith.constant 0 : i32
      %dma_wait3A_927 = tpu.memref_slice %arg4[%multiple_of3A_837, %dma_wait3A_925, %dma_wait3A_926] : memref<24304x8x224xf32, #tpu.memory_space<hbm>> -> memref<28x8x224xf32, #tpu.memory_space<hbm>>
      tpu.wait_dma2 semaphore(%arg10 : memref<!tpu.dma_semaphore, #tpu.memory_space<semaphore_mem>>) src(%arg7 : memref<28x8x224xf32, #tpu.memory_space<vmem>>) dst(%dma_wait3A_927 : memref<28x8x224xf32, #tpu.memory_space<hbm>>)
    } else {
    }
    return
  }
}

</mosaic_0001>

<sc_bundles>
// kernel: kernel.3.cloned.1.call-start
scs
__scs_entry_jumppad:
0x0: {  	(pc) =	sbr.rel $0x88, $3  }
0x1: {  	(tag) =	ssettag $0x0;
	lr =	simm.s32 $0x1  }
0x2: {  	[smem:$0x3FA0] =	sst lr;
	_ =	strace $0xD0000000  }
0x3: {  	_ = 	snop  }
0x4: {  	_ = 	snop  }
0x5: {  	_ = 	snop  }
0x6: {  	_ = 	snop  }
0x7: {  	_ = 	snop  }
__scs_overlays_trampoline_lowered:
0x8: {  	[smem:$0x3FAF] =	sst s0  }
0x9: {  	[smem:$0x3FB0] =	sst s1  }
0xa: {  	[smem:$0x3FB1] =	sst s2  }
0xb: {  	[smem:$0x3FB2] =	sst s3  }
0xc: {  	[smem:$0x3FB3] =	sst s4  }
0xd: {  	[smem:$0x3FB4] =	sst s5  }
0xe: {  	[smem:$0x3FB5] =	sst s6  }
0xf: {  	[smem:$0x3FB6] =	sst s7  }
0x10: {  	[smem:$0x3FB7] =	sst s8  }
0x11: {  	[smem:$0x3FB8] =	sst s9;
	s0 =	simm.s32 @!p0 $0x0  }
0x12: {  	s1 =	sld [smem:$0x3F9E];
	s0 =	simm.s32 @p0 $0x1  }
0x13: {  	[smem:$0x3FB9] =	sst s0;
	s0 =	simm.s32 @!p1 $0x0  }
0x14: {  	s2 =	sld [smem:$0x3F9D];
	s0 =	simm.s32 @p1 $0x1  }
0x15: {  	[smem:$0x3FBA] =	sst s0;
	s0 =	simm.s32 @!p2 $0x0  }
0x16: {  	s3 =	sld [smem:$0x3FDB];
	s0 =	simm.s32 @p2 $0x1  }
0x17: {  	s4 =	simm.s32 $0x1BF5;
	[smem:$0x3FBC] =	sst s0  }
0x18: {  	s0 =	sld [smem:$0x3F9F];
	_ =	swait.ge [sflag:s4], $0x0  }
0x19: {  	s7 =	sld [smem:$0x3FA0]  }
0x1a: {  	s8 =	sadd.s32 $0xFFFFE003, lr  }
0x1b: {  	s9 =	sadd.s32 $0xFFFFFEF7, lr;
	s5 =	simm.s32 $0xFFFFFFFF;
	p2 =	slt.u32 s8, $0xFFFFF086  }
0x1c: {  	p1 =	slt.u32 s9, $0xF7A;
	s5 =	simm.s32 @!p2 $0x0  }
0x1d: {  	s5 =	simm.s32 @p1 $0x1;
	p0 =	seq.s32 s7, s2  }
0x1e: {  	s7 =	smul.u32 @!p0 $0xF7A, s2;
	p2 =	seq.s32 @!p0 s5, $0x0  }
0x1f: {  	s9 =	smul.u32 $0xF7A, s1;
	s8 =	simm.s32 @!p0 $0x1BF5;
	p2 =	por !p2, p0  }
0x20: {  	[sflag:s8] =	ssyncset.s32 @!p0 $0xFFFFF086;
	s6 =	sadd.s32 @!p0 s3, s7;
	s7 =	simm.s32 @!p0 $0x108  }
0x21: {  	s3 =	sadd.s32 s3, s9;
	s6 =	sadd.s32 @!p0 $0x88, s6;
	s7 =	simm.s32 @p2 $0x1082  }
0x22: {  	[simem:s7], [sflag:s8] =	dma.local @!p0 [hbm:s6], $0xF7A  }
0x23: {  	s9 =	sor.u32 $0xD0000000, s2;
	s6 =	simm.s32 $0x108;
	_ =	swait.ge @!p0 [sflag:s8], $0x0  }
0x24: {  	s3 =	sadd.s32 $0x88, s3;
	s6 =	simm.s32 @!p1 $0x1082;
	[sflag:s4] =	ssyncset.s32 $0xFFFFF086  }
0x25: {  	[simem:s6], [sflag:s4] =	dma.local [hbm:s3], $0xF7A  }
0x26: {  	[smem:$0x3FA0] =	sst s1;
	(tag) =	ssettag s2;
	_ =	strace s9  }
0x27: {  	s1 =	sld [smem:$0x3FB0]  }
0x28: {  	s2 =	sld [smem:$0x3FB1]  }
0x29: {  	s4 =	sld [smem:$0x3FB3]  }
0x2a: {  	p0 =	seq.s32 s5, $0x0;
	s5 =	sld [smem:$0x3FB4]  }
0x2b: {  	s6 =	sld [smem:$0x3FB5]  }
0x2c: {  	s7 =	sld [smem:$0x3FB6]  }
0x2d: {  	s3 =	simm.s32 $0x108;
	s8 =	sld [smem:$0x3FB7]  }
0x2e: {  	s3 =	simm.s32 @!p0 $0x1082;
	s9 =	sld [smem:$0x3FB8]  }
0x2f: {  	lr =	sadd.s32 s0, s3;
	s0 =	sld [smem:$0x3FAF]  }
0x30: {  	s3 =	sld [smem:$0x3FB2]  }
0x31: {  	[smem:$0x3FBB] =	sst s10  }
0x32: {  	s10 =	sld [smem:$0x3FB9];
	_ =	sdelay $0x3  }
0x33: {  	p0 =	seq.s32 s10, $0x1;
	s10 =	sld [smem:$0x3FBB];
	_ =	sdelay $0x3  }
0x34: {  	[smem:$0x3FBB] =	sst s10  }
0x35: {  	s10 =	sld [smem:$0x3FBA];
	_ =	sdelay $0x3  }
0x36: {  	p1 =	seq.s32 s10, $0x1;
	s10 =	sld [smem:$0x3FBB];
	_ =	sdelay $0x3  }
0x37: {  	[smem:$0x3FBB] =	sst s10  }
0x38: {  	s10 =	sld [smem:$0x3FBC]  }
0x39: {  	_ = 	snop;
	(pc) =	sbr.ind lr, $3  }
0x3a: {  	_ = 	snop  }
0x3b: {  	_ = 	snop  }
0x3c: {  	p2 =	seq.s32 s10, $0x1;
	s10 =	sld [smem:$0x3FBB]  }
0x3d: {  	_ =	shalt  }
0x3e: {  	_ =	shalt  }
0x3f: {  	_ =	shalt  }
0x40: {  	_ =	shalt  }
0x41: {  	_ =	shalt  }
0x42: {  	_ =	shalt  }
0x43: {  	_ =	shalt  }
0x44: {  	_ =	shalt  }
0x45: {  	_ =	shalt  }
0x46: {  	_ =	shalt  }
0x47: {  	_ =	shalt  }
0x48: {  	_ =	shalt  }
0x49: {  	_ =	shalt  }
0x4a: {  	_ =	shalt  }
0x4b: {  	_ =	shalt  }
0x4c: {  	_ =	shalt  }
0x4d: {  	_ =	shalt  }
0x4e: {  	_ =	shalt  }
0x4f: {  	_ =	shalt  }
0x50: {  	_ =	shalt  }
0x51: {  	_ =	shalt  }
0x52: {  	_ =	shalt  }
0x53: {  	_ =	shalt  }
0x54: {  	_ =	shalt  }
0x55: {  	_ =	shalt  }
0x56: {  	_ =	shalt  }
0x57: {  	_ =	shalt  }
0x58: {  	_ =	shalt  }
0x59: {  	_ =	shalt  }
0x5a: {  	_ =	shalt  }
0x5b: {  	_ =	shalt  }
0x5c: {  	_ =	shalt  }
0x5d: {  	_ =	shalt  }
0x5e: {  	_ =	shalt  }
0x5f: {  	_ =	shalt  }
0x60: {  	_ =	shalt  }
0x61: {  	_ =	shalt  }
0x62: {  	_ =	shalt  }
0x63: {  	_ =	shalt  }
0x64: {  	_ =	shalt  }
0x65: {  	_ =	shalt  }
0x66: {  	_ =	shalt  }
0x67: {  	_ =	shalt  }
0x68: {  	_ =	shalt  }
0x69: {  	_ =	shalt  }
0x6a: {  	_ =	shalt  }
0x6b: {  	_ =	shalt  }
0x6c: {  	_ =	shalt  }
0x6d: {  	_ =	shalt  }
0x6e: {  	_ =	shalt  }
0x6f: {  	_ =	shalt  }
0x70: {  	_ =	shalt  }
0x71: {  	_ =	shalt  }
0x72: {  	_ =	shalt  }
0x73: {  	_ =	shalt  }
0x74: {  	_ =	shalt  }
0x75: {  	_ =	shalt  }
0x76: {  	_ =	shalt  }
0x77: {  	_ =	shalt  }
0x78: {  	_ =	shalt  }
0x79: {  	_ =	shalt  }
0x7a: {  	_ =	shalt  }
0x7b: {  	_ =	shalt  }
0x7c: {  	_ =	shalt  }
0x7d: {  	_ =	shalt  }
0x7e: {  	_ =	shalt  }
0x7f: {  	_ =	shalt  }
0x80: {  	_ =	shalt  }
0x81: {  	_ =	shalt  }
0x82: {  	_ =	shalt  }
0x83: {  	_ =	shalt  }
0x84: {  	_ =	shalt  }
0x85: {  	_ =	shalt  }
0x86: {  	_ =	shalt  }
0x87: {  	_ =	shalt  }
.Lfunc_end0:
.L_simem_size_0:
called_computation_lowered:
.L_overlay_start_0:
0x88: {  	s2 =	sld [smem:$0x3FD9]  }
0x89: {  	s3 =	sld [smem:$0x3FFE];
	_ =	sdelay $0x1  }
0x8a: {  	s1 =	srdreg.scid  }
0x8b: {  	s0 =	sand.u32 $0x1, s1  }
0x8c: {  	s17 =	sshll.u32 s0, $0xA;
	s2 =	sadd.s32 s3, s2  }
0x8d: {  	s2 =	sadd.s32 s2, s17  }
0x8e: {  	[smem:$0x3FC7] =	sst s2  }
0x8f: {  	_ = 	snop  }
0x90: {  	s2 =	sld [smem:$0x3FC9]  }
0x91: {  	s18 =	sld [smem:$0x3FD0];
	(tm) =	ssettm $0x1  }
0x92: {  	s4 =	sld [smem:$0x3FFB];
	_ =	sdelay $0x3  }
0x93: {  	_ =	strace s4  }
0x94: {  	s4 =	sld [smem:$0x3FFC];
	_ =	sdelay $0x3  }
0x95: {  	_ =	strace s4  }
0x96: {  	s4 =	sld [smem:$0x3FFD];
	_ =	sdelay $0x3  }
0x97: {  	_ =	strace s4  }
0x98: {  	_ =	strace $0x8FFFFFFF  }
0x99: {  	s19 =	sld [smem:$0x3FDB];
	_ =	sdelay $0x1  }
0x9a: {  	s5 =	simm.s32 $_scs_section_size  }
0x9b: {  	s6 =	simm.s32 $_size__tile_overlayer_lowered;
	s7 =	simm.s32 $_tile_overlayer_lowered  }
0x9c: {  	s22 =	simm.s32 $0x1BFF;
	s21 =	sshll.u32 s7, $0x1;
	s4 =	sadd.s32 s5, s19  }
0x9d: {  	s8 =	simm.s32 $0x0;
	s20 =	sshll.u32 s6, $0x1;
	s6 =	sadd.s32 s21, s4  }
0x9e: {  	[timem:s8], [sflag:s22] =	dma.local [hbm:s6], s20  }
0x9f: {  	_ =	swait.ge [sflag:s22], s20  }
0xa0: {  	s5 =	ssub.s32 $0x0, s20;
	[sflag:s22] =	ssyncset.done $0x0  }
0xa1: {  	[sflag:s22] =	ssyncadd.s32 s5;
	_ =	sdelay $0x1  }
0xa2: {  	s23 =	simm.s32 $0x1B8B  }
0xa3: {  	_ =	swait.ge [sflag:s23], $0x1  }
0xa4: {  	[sflag:s23] =	ssyncset.done $0x0  }
0xa5: {  	s25 =	simm.s32 $0x1B8E;
	s24 =	sld [smem:$0x3FFE];
	[sflag:s23] =	ssyncadd.s32 $0xFFFFFFFF  }
0xa6: {  	s26 =	simm.s32 $execute0_lowered;
	[smem:$0x3FD2] =	sst s25  }
0xa7: {  	s6 =	sshll.u32 s26, $0x1;
	_ =	strace $0x80000046;
	[dreg:$0x1] =	wrdreg $0xFFFFFFFF  }
0xa8: {  	s28 =	simm.s32 $_size_execute0_lowered;
	s4 =	sadd.s32 s4, s6;
	[dreg:$0x0] =	wrdreg $0x0  }
0xa9: {  	s6 =	sshll.u32 s28, $0x1;
	[dreg:$0x2] =	wrdreg s4  }
0xaa: {  	[dreg:$0x3] =	wrdreg s6  }
0xab: {  	[dreg:$0x4] =	wrdreg $0xC0  }
0xac: {  	_ =	task [dreg:s8], $0x5FFFF  }
0xad: {  	[dreg:$0x1] =	wrdreg $0xFFFFFFFF  }
0xae: {  	[dreg:$0x0] =	wrdreg $0x60  }
0xaf: {  	[dreg:$0x2] =	wrdreg s2  }
0xb0: {  	[dreg:$0x3] =	wrdreg s24  }
0xb1: {  	[dreg:$0x4] =	wrdreg s18  }
0xb2: {  	[dreg:$0x5] =	wrdreg $0x9  }
0xb3: {  	_ =	task.clear_ibuf [dreg:s8], $0x6FFFF;
	_ =	strace $0x90000046  }
0xb4: {  	s29 =	simm.s32 $0x9;
	_ =	strace $0x80000048  }
0xb5: {  	_ =	swait.ge [sflag:s29], $0x1  }
0xb6: {  	[sflag:s29] =	ssyncadd.s32 $0xFFFFFFFF  }
0xb7: {  	_ =	strace $0x90000048  }
0xb8: {  	_ =	sfence  }
0xb9: {  	s30 =	sld [smem:$0x0];
	_ =	sdelay $0x2  }
0xba: {  	s31 =	sshll.u32 s1, $0xD;
	s1 =	sshrl.u32 s1, $0x2  }
0xbb: {  	s3 =	sand.u32 $0x4000, s31;
	s1 =	sadd.s32 s1, s30  }
0xbc: {  	s0 =	sor.u32 s3, s0;
	s1 =	sshll.u32 s1, $0x11  }
0xbd: {  	s0 =	sor.u32 s1, s0  }
0xbe: {  	s0 =	sadd.s32 $0x8F2B, s0  }
0xbf: {  	[sflag:s0] =	ssyncadd.remote.s32 $0x1  }
0xc0: {  	_ =	sfence.sel $0xFFFF  }
0xc1: {  	[dreg:$0x0] =	wrdreg $0xFFFFFFFF;
	(pc) =	sbr.abs _section_cstart, $3  }
0xc2: {  	[dreg:$0x1] =	wrdreg $0xFFFFFFFF  }
0xc3: {  	_ =	task.clear_ibuf [dreg:s8], $0x2FFFF;
	_ =	strace $0x9FFFFFFF  }
0xc4: {  	(tm) =	ssettm $0x7FFFFFFF  }
0xc5: {  	_ =	shalt  }
tec
execute0_lowered:
.L_overlay_start_1:
0x0: {  	(tag) =	ssettag $0x1  }
0x1: {  	s1 =	srdreg.scid;
	s0 =	stileid.u32  }
0x2: {  	s11 =	sand.u32 $0x1, s1;
	s6 =	sshll.u32 s0, $0x1  }
0x3: {  	s6 =	sor.u32 s11, s6  }
0x4: {  	p0 =	seq.s32 s6, $0x1F  }
.Ltmp0:
0x5: {  	s2 =	rddreg [dreg:$0x0];
	(pc) =	sbr.rel @p0 .LBB2_4-.Ltmp0, $4  }
0x6: {  	s5 =	rddreg [dreg:$0x1]  }
0x7: {  	s3 =	rddreg [dreg:$0x2];
	s4 =	simm.s32 $0x0  }
0x8: {  	[smem:$0x7FF] =	sst s4  }
0x9: {  	s1 =	rddreg [dreg:$0x3];
	_ =	strace $0x80000047  }
0xa: {  	s5 =	sadd.s32 $0x400, s5;
	s6 =	sshll.u32 s6, $0x4  }
0xb: {  	s5 =	sadd.s32 s5, s6  }
0xc: {  	[dreg:$0x4] =	wrdreg s5  }
0xd: {  	s5 =	simm.s32 $0x4;
	s28 =	rddreg [dreg:$0x4]  }
0xe: {  	[tilespmem:s4], [sflag:$0x4] =	stream.linear.gather [hbm4b:s28+s4], $0x80, $0x38;
	[tilespmem:$0x1C080] =	vst v63  }
0xf: {  	_ =	swait.ge [sflag:s5], $0x80  }
0x10: {  	[sflag:s5] =	ssyncset.done $0x0  }
0x11: {  	[sflag:s5] =	ssyncadd.s32 $0xFFFFFF80  }
0x12: {  	v0 =	vld [tilespmem:$0x0]  }
0x13: {  	v1 =	vld [tilespmem:$0x10];
	_ =	sdelay $0x2  }
0x14: {  	vm0 =	vmmov $0x1;
	vm1 =	vcmask $0x308  }
0x15: {  	vm2 =	vcmask $0x70C;
	vm3 =	vcmask $0xB10;
	v2 =	vnsel vm0, $0xFFFFFFFF, v0  }
0x16: {  	vm4 =	vcmask $0xF14;
	v3 =	vnsel vm0, $0xFFFFFFFF, v1;
	v2 =	vxor.u32 $0x80000000, v2  }
0x17: {  	vm5 =	vcmask $0x1318;
	v4 =	vsel vm1, $0xFFFFFFFF, v1;
	v3 =	vxor.u32 $0x80000000, v3;
	(xrf0) =	vmax.scan.msk.u32 $0xffff, v2  }
0x18: {  	vm6 =	vcmask $0x171C;
	v61 =	vsel vm2, $0xFFFFFFFF, v1;
	v60 =	vxor.u32 $0x80000000, v4;
	(xrf0) =	vmax.scan.msk.u32 $0xffff, v3  }
0x19: {  	vm7 =	vcmask $0x1B20;
	v63 =	vsel vm3, $0xFFFFFFFF, v1;
	v62 =	vxor.u32 $0x80000000, v61;
	(xrf0) =	vmax.scan.msk.u32 $0xffff, v60  }
0x1a: {  	vm8 =	vcmask $0x1F24;
	v8 =	vsel vm4, $0xFFFFFFFF, v1;
	v4 =	vxor.u32 $0x80000000, v63;
	(xrf0) =	vmax.scan.msk.u32 $0xffff, v62  }
0x1b: {  	vm9 =	vcmask $0x2328;
	v9 =	vsel vm5, $0xFFFFFFFF, v1;
	v2 =	vxor.u32 $0x80000000, v8;
	(xrf0) =	vmax.scan.msk.u32 $0xffff, v4  }
0x1c: {  	vm10 =	vcmask $0x272C;
	v10 =	vsel vm6, $0xFFFFFFFF, v1;
	v3 =	vxor.u32 $0x80000000, v9;
	(xrf0) =	vmax.scan.msk.u32 $0xffff, v2  }
0x1d: {  	vm11 =	vcmask $0x2B30;
	v11 =	vsel vm1, $0xFFFFFFFF, v0;
	v4 =	vxor.u32 $0x80000000, v10;
	v5, _, _ =	vpop (xrf0);
	(xrf0) =	vmax.scan.msk.u32 $0xffff, v3  }
0x1e: {  	v12 =	vsel vm7, $0xFFFFFFFF, v1;
	v2 =	vxor.u32 $0x80000000, v11;
	(v2sf) =	vpush v5, $0xF;
	(xrf0) =	vmax.scan.msk.u32 $0xffff, v4  }
0x1f: {  	vm12 =	vcmask $0x2F34;
	v13 =	vsel vm8, $0xFFFFFFFF, v1;
	v3 =	vxor.u32 $0x80000000, v12;
	v14, _, _ =	vpop (xrf0);
	(xrf0) =	vmax.scan.msk.u32 $0xffff, v2  }
0x20: {  	v16 =	vsel vm9, $0xFFFFFFFF, v1;
	v15 =	vxor.u32 $0x80000000, v13;
	(v2sf) =	vpush v14, $0xF;
	v17, _, _ =	vpop (xrf0);
	(xrf0) =	vmax.scan.msk.u32 $0xffff, v3  }
0x21: {  	v19 =	vsel vm10, $0xFFFFFFFF, v1;
	v18 =	vxor.u32 $0x80000000, v16;
	(v2sf) =	vpush v17, $0xF;
	v20, _, _ =	vpop (xrf0);
	(xrf0) =	vmax.scan.msk.u32 $0xffff, v15  }
0x22: {  	v21 =	vsel vm11, $0xFFFFFFFF, v1;
	v4 =	vxor.u32 $0x80000000, v19;
	(v2sf) =	vpush v20, $0xF;
	v22, _, _ =	vpop (xrf0);
	(xrf0) =	vmax.scan.msk.u32 $0xffff, v18  }
0x23: {  	vm13 =	vcmask $0x3338;
	v23 =	vld [tilespmem:$0x20];
	v6 =	vsel vm12, $0xFFFFFFFF, v1;
	v2 =	vxor.u32 $0x80000000, v21;
	v7, _, _ =	vpop (xrf0);
	(xrf0) =	vmax.scan.msk.u32 $0xffff, v4  }
0x24: {  	v24 =	vsel vm13, $0xFFFFFFFF, v1;
	v6 =	vxor.u32 $0x80000000, v6;
	v8, _, _ =	vpop (xrf0);
	(xrf0) =	vmax.scan.msk.u32 $0xffff, v2  }
0x25: {  	vm14 =	vcmask $0x373C;
	v25 =	vsel vm2, $0xFFFFFFFF, v0;
	v4 =	vxor.u32 $0x80000000, v24;
	v9, _, _ =	vpop (xrf0);
	(xrf0) =	vmax.scan.msk.u32 $0xffff, v6  }
0x26: {  	vm15 =	vmmov $0x7fff;
	v26 =	vsel vm14, $0xFFFFFFFF, v1;
	v2 =	vxor.u32 $0x80000000, v25;
	v27, _, _ =	vpop (xrf0);
	(xrf0) =	vmax.scan.msk.u32 $0xffff, v4  }
0x27: {  	v1 =	vsel vm15, $0xFFFFFFFF, v1;
	v28 =	vxor.u32 $0x80000000, v26;
	(v2sf) =	vpush v22, $0xF;
	v29, _, _ =	vpop (xrf0);
	(xrf0) =	vmax.scan.msk.u32 $0xffff, v2  }
0x28: {  	v30 =	vnsel vm0, $0xFFFFFFFF, v23;
	v1 =	vxor.u32 $0x80000000, v1;
	v10, _, _ =	vpop (xrf0);
	(xrf0) =	vmax.scan.msk.u32 $0xffff, v28  }
0x29: {  	v31 =	vsel vm1, $0xFFFFFFFF, v23;
	(v2sf) =	vpush v7, $0xF;
	v2 =	vxor.u32 $0x80000000, v30;
	v32, _, _ =	vpop (xrf0);
	(xrf0) =	vmax.scan.msk.u32 $0xffff, v1  }
0x2a: {  	v34 =	vsel vm2, $0xFFFFFFFF, v23;
	v33 =	vxor.u32 $0x80000000, v31;
	v11, _, _ =	vpop (xrf0);
	(xrf0) =	vmax.scan.msk.u32 $0xffff, v2  }
0x2b: {  	v35 =	vsel vm3, $0xFFFFFFFF, v23;
	(v2sf) =	vpush v8, $0xF;
	v4 =	vxor.u32 $0x80000000, v34;
	v36, _, _ =	vpop (xrf0);
	(xrf0) =	vmax.scan.msk.u32 $0xffff, v33  }
0x2c: {  	v38 =	vsel vm4, $0xFFFFFFFF, v23;
	v37 =	vxor.u32 $0x80000000, v35;
	v12, _, _ =	vpop (xrf0);
	(xrf0) =	vmax.scan.msk.u32 $0xffff, v4  }
0x2d: {  	v0 =	vsel vm3, $0xFFFFFFFF, v0;
	v2 =	vxor.u32 $0x80000000, v38;
	v39, _, _ =	vpop (xrf0);
	s29 =	spop (v2sf);
	(xrf0) =	vmax.scan.msk.u32 $0xffff, v37  }
0x2e: {  	v40 =	vsel vm5, $0xFFFFFFFF, v23;
	v0 =	vxor.u32 $0x80000000, v0;
	v13, _, _ =	vpop (xrf0);
	s7 =	smul.u32 $0xE000, s29;
	(xrf0) =	vmax.scan.msk.u32 $0xffff, v2  }
0x2f: {  	s6 =	simm.s32 $0x80;
	v41 =	vsel vm6, $0xFFFFFFFF, v23;
	v1 =	vxor.u32 $0x80000000, v40;
	(v2sf) =	vpush v9, $0xF;
	s8 =	spop (v2sf);
	v42, _, _ =	vpop (xrf0);
	(xrf0) =	vmax.scan.msk.u32 $0xffff, v0  }
0x30: {  	v43 =	vxor.u32 $0x80000000, v41;
	s8 =	smul.u32 $0xE000, s8;
	s9 =	spop (v2sf);
	v44, _, _ =	vpop (xrf0);
	s7 =	sshrl.u32 s7, $0x3;
	(xrf0) =	vmax.scan.msk.u32 $0xffff, v1  }
0x31: {  	v45 =	vsel vm7, $0xFFFFFFFF, v23;
	s9 =	smul.u32 $0xE000, s9;
	s10 =	spop (v2sf);
	v46, _, _ =	vpop (xrf0);
	s7 =	sadd.s32 s2, s7;
	(xrf0) =	vmax.scan.msk.u32 $0xffff, v43  }
0x32: {  	v47 =	vxor.u32 $0x80000000, v45;
	(v2sf) =	vpush v27, $0xF;
	v48, _, _ =	vpop (xrf0);
	[tilespmem:s6], [sflag:$0x1] =	stream.linear.gather [hbm4b:s7+s4], $0xE000, $0x38;
	[tilespmem:$0x1C080] =	vst v63  }
0x33: {  	(v2sf) =	vpush v29, $0xF;
	s10 =	smul.u32 $0xE000, s10;
	s7 =	simm.s32 $0x1;
	v49, _, _ =	vpop (xrf0);
	(xrf0) =	vmax.scan.msk.u32 $0xffff, v47  }
0x34: {  	s8 =	sshrl.u32 s8, $0x3;
	s9 =	sshrl.u32 s9, $0x3;
	_ =	swait.ge [sflag:s7], $0xE000  }
0x35: {  	s8 =	sadd.s32 s3, s8;
	s10 =	sshrl.u32 s10, $0x3;
	[sflag:s7] =	ssyncset.done $0x0  }
0x36: {  	s30 =	sadd.s32 s3, s9;
	(v2sf) =	vpush v10, $0xF;
	s12 =	spop (v2sf);
	[sflag:s7] =	ssyncadd.s32 $0xFFFF2000  }
0x37: {  	(v2sf) =	vpush v32, $0xF;
	[hbm4b:s8+s4] =	stream.linear.scatter [tilespmem:s6], [sflag:$0x2], $0xE000, $0x38;
	[tilespmem:$0x1C080] =	vst v63  }
0x38: {  	s14 =	sadd.s32 s3, s10;
	s12 =	smul.u32 $0xE000, s12;
	s13 =	spop (v2sf)  }
0x39: {  	[hbm4b:s30+s4] =	stream.linear.scatter [tilespmem:s6], [sflag:$0x2], $0xE000, $0x38;
	[tilespmem:$0x1C080] =	vst v63  }
0x3a: {  	v50 =	vsel vm8, $0xFFFFFFFF, v23;
	(v2sf) =	vpush v11, $0xF;
	s15 =	smul.u32 $0xE000, s13;
	s16 =	spop (v2sf);
	s31 =	sshrl.u32 s12, $0x3  }
0x3b: {  	v0 =	vxor.u32 $0x80000000, v50;
	[hbm4b:s14+s4] =	stream.linear.scatter [tilespmem:s6], [sflag:$0x2], $0xE000, $0x38;
	[tilespmem:$0x1C080] =	vst v63  }
0x3c: {  	v51 =	vsel vm9, $0xFFFFFFFF, v23;
	(xrf0) =	vmax.scan.msk.u32 $0xffff, v0;
	(v2sf) =	vpush v36, $0xF;
	s19 =	smul.u32 $0xE000, s16;
	s17 =	sadd.s32 s3, s31  }
0x3d: {  	v53 =	vsel vm10, $0xFFFFFFFF, v23;
	v52 =	vxor.u32 $0x80000000, v51;
	[hbm4b:s17+s4] =	stream.linear.scatter [tilespmem:s6], [sflag:$0x2], $0xE000, $0x38;
	[tilespmem:$0x1C080] =	vst v63  }
0x3e: {  	v54 =	vxor.u32 $0x80000000, v53;
	v55, _, _ =	vpop (xrf0);
	(xrf0) =	vmax.scan.msk.u32 $0xffff, v52;
	s18 =	sshrl.u32 s15, $0x3;
	s22 =	spop (v2sf)  }
0x3f: {  	v3 =	vsel vm11, $0xFFFFFFFF, v23;
	v56, _, _ =	vpop (xrf0);
	(xrf0) =	vmax.scan.msk.u32 $0xffff, v54;
	s20 =	sadd.s32 s3, s18;
	s21 =	sshrl.u32 s19, $0x3;
	s24 =	smul.u32 $0xE000, s22  }
0x40: {  	v3 =	vxor.u32 $0x80000000, v3;
	v57, _, _ =	vpop (xrf0);
	(v2sf) =	vpush v12, $0xF;
	[hbm4b:s20+s4] =	stream.linear.scatter [tilespmem:s6], [sflag:$0x2], $0xE000, $0x38;
	[tilespmem:$0x1C080] =	vst v63  }
0x41: {  	(xrf0) =	vmax.scan.msk.u32 $0xffff, v3;
	v58, _, _ =	vpop (xrf0);
	s23 =	sadd.s32 s3, s21;
	s25 =	spop (v2sf);
	s9 =	sshrl.u32 s24, $0x3  }
0x42: {  	v59, _, _ =	vpop (xrf0);
	(v2sf) =	vpush v39, $0xF;
	[hbm4b:s23+s4] =	stream.linear.scatter [tilespmem:s6], [sflag:$0x2], $0xE000, $0x38;
	[tilespmem:$0x1C080] =	vst v63  }
0x43: {  	v60, _, _ =	vpop (xrf0);
	s10 =	smul.u32 $0xE000, s25;
	s26 =	spop (v2sf);
	s9 =	sadd.s32 s3, s9  }
0x44: {  	v61, _, _ =	vpop (xrf0);
	[hbm4b:s9+s4] =	stream.linear.scatter [tilespmem:s6], [sflag:$0x2], $0xE000, $0x38;
	[tilespmem:$0x1C080] =	vst v63  }
0x45: {  	s8 =	simm.s32 $0xE080;
	v62, _, _ =	vpop (xrf0);
	s10 =	sshrl.u32 s10, $0x3;
	s13 =	spop (v2sf)  }
0x46: {  	v14, _, _ =	vpop (xrf0);
	s12 =	smul.u32 $0xE000, s26;
	s10 =	sadd.s32 s2, s10;
	(v2sf) =	vpush v13, $0xF;
	s29 =	spop (v2sf)  }
0x47: {  	v63, _, _ =	vpop (xrf0);
	[tilespmem:s8], [sflag:$0x1] =	stream.linear.gather [hbm4b:s10+s4], $0xE000, $0x38;
	(v2sf) =	vpush v42, $0xF;
	[tilespmem:$0x1C080] =	vst v63  }
0x48: {  	s30 =	sshrl.u32 s12, $0x3;
	s28 =	smul.u32 $0xE000, s13;
	_ =	swait.ge [sflag:s7], $0xE000  }
0x49: {  	s10 =	sadd.s32 s3, s30;
	s31 =	smul.u32 $0xE000, s29;
	s14 =	spop (v2sf)  }
0x4a: {  	s9 =	sshrl.u32 s28, $0x3;
	[sflag:s7] =	ssyncset.done $0x0;
	s13 =	smul.u32 $0xE000, s14  }
0x4b: {  	s14 =	spop (v2sf);
	[sflag:s7] =	ssyncadd.s32 $0xFFFF2000;
	s12 =	sshrl.u32 s31, $0x3  }
0x4c: {  	(v2sf) =	vpush v44, $0xF;
	[hbm4b:s10+s4] =	stream.linear.scatter [tilespmem:s8], [sflag:$0x3], $0xE000, $0x38;
	[tilespmem:$0x1C080] =	vst v63  }
0x4d: {  	s9 =	sadd.s32 s3, s9;
	s16 =	smul.u32 $0xE000, s14;
	s17 =	sadd.s32 s3, s12  }
0x4e: {  	(v2sf) =	vpush v46, $0xF;
	[hbm4b:s9+s4] =	stream.linear.scatter [tilespmem:s8], [sflag:$0x3], $0xE000, $0x38;
	[tilespmem:$0x1C080] =	vst v63  }
0x4f: {  	s15 =	sshrl.u32 s13, $0x3;
	s18 =	sshrl.u32 s16, $0x3;
	s19 =	spop (v2sf);
	(v2sf) =	vpush v48, $0xF  }
0x50: {  	[hbm4b:s17+s4] =	stream.linear.scatter [tilespmem:s8], [sflag:$0x3], $0xE000, $0x38;
	[tilespmem:$0x1C080] =	vst v63  }
0x51: {  	s20 =	sadd.s32 s3, s15;
	s21 =	smul.u32 $0xE000, s19;
	s22 =	spop (v2sf)  }
0x52: {  	(v2sf) =	vpush v49, $0xF;
	[hbm4b:s20+s4] =	stream.linear.scatter [tilespmem:s8], [sflag:$0x3], $0xE000, $0x38;
	[tilespmem:$0x1C080] =	vst v63  }
0x53: {  	s23 =	sadd.s32 s3, s18;
	s24 =	smul.u32 $0xE000, s22;
	s10 =	sshrl.u32 s21, $0x3  }
0x54: {  	(v2sf) =	vpush v55, $0xF;
	[hbm4b:s23+s4] =	stream.linear.scatter [tilespmem:s8], [sflag:$0x3], $0xE000, $0x38;
	[tilespmem:$0x1C080] =	vst v63  }
0x55: {  	(v2sf) =	vpush v56, $0xF;
	s25 =	sadd.s32 s3, s10;
	s26 =	sshrl.u32 s24, $0x3;
	s28 =	spop (v2sf)  }
0x56: {  	[hbm4b:s25+s4] =	stream.linear.scatter [tilespmem:s8], [sflag:$0x3], $0xE000, $0x38;
	[tilespmem:$0x1C080] =	vst v63  }
0x57: {  	s9 =	simm.s32 $0x2;
	s10 =	sadd.s32 s3, s26;
	s29 =	spop (v2sf)  }
0x58: {  	(v2sf) =	vpush v57, $0xF;
	[hbm4b:s10+s4] =	stream.linear.scatter [tilespmem:s8], [sflag:$0x3], $0xE000, $0x38;
	[tilespmem:$0x1C080] =	vst v63  }
0x59: {  	_ =	swait.ge [sflag:s9], $0xE000  }
0x5a: {  	(v2sf) =	vpush v58, $0xF;
	[sflag:s9] =	ssyncset.done $0x0  }
0x5b: {  	s30 =	spop (v2sf);
	[sflag:s9] =	ssyncadd.s32 $0xFFFF2000;
	(v2sf) =	vpush v59, $0xF  }
0x5c: {  	_ =	swait.ge [sflag:s9], $0xE000  }
0x5d: {  	s16 =	spop (v2sf);
	[sflag:s9] =	ssyncset.done $0x0  }
0x5e: {  	(v2sf) =	vpush v60, $0xF;
	[sflag:s9] =	ssyncadd.s32 $0xFFFF2000;
	s17 =	spop (v2sf)  }
0x5f: {  	_ =	swait.ge [sflag:s9], $0xE000  }
0x60: {  	[sflag:s9] =	ssyncset.done $0x0;
	(v2sf) =	vpush v61, $0xF  }
0x61: {  	s18 =	spop (v2sf);
	[sflag:s9] =	ssyncadd.s32 $0xFFFF2000;
	(v2sf) =	vpush v62, $0xF  }
0x62: {  	_ =	swait.ge [sflag:s9], $0xE000  }
0x63: {  	s19 =	spop (v2sf);
	[sflag:s9] =	ssyncset.done $0x0  }
0x64: {  	[sflag:s9] =	ssyncadd.s32 $0xFFFF2000;
	s20 =	spop (v2sf)  }
0x65: {  	_ =	swait.ge [sflag:s9], $0xE000  }
0x66: {  	[sflag:s9] =	ssyncset.done $0x0  }
0x67: {  	s12 =	spop (v2sf);
	(v2sf) =	vpush v14, $0xF;
	[sflag:s9] =	ssyncadd.s32 $0xFFFF2000  }
0x68: {  	_ =	swait.ge [sflag:s9], $0xE000  }
0x69: {  	s21 =	smul.u32 $0xE000, s28;
	s13 =	spop (v2sf);
	[sflag:s9] =	ssyncset.done $0x0  }
0x6a: {  	(v2sf) =	vpush v63, $0xF;
	[sflag:s9] =	ssyncadd.s32 $0xFFFF2000;
	s15 =	spop (v2sf)  }
0x6b: {  	s21 =	sshrl.u32 s21, $0x3;
	_ =	swait.ge [sflag:s9], $0xE000  }
0x6c: {  	s22 =	smul.u32 $0xE000, s29;
	s21 =	sadd.s32 s2, s21;
	[sflag:s9] =	ssyncset.done $0x0  }
0x6d: {  	s10 =	smul.u32 $0xE000, s30;
	s14 =	spop (v2sf);
	[sflag:s9] =	ssyncadd.s32 $0xFFFF2000  }
0x6e: {  	[tilespmem:s6], [sflag:$0x1] =	stream.linear.gather [hbm4b:s21+s4], $0xE000, $0x38;
	[tilespmem:$0x1C080] =	vst v63  }
0x6f: {  	s31 =	sshrl.u32 s22, $0x3;
	s10 =	sshrl.u32 s10, $0x3;
	_ =	swait.ge [sflag:s7], $0xE000  }
0x70: {  	s16 =	smul.u32 $0xE000, s16;
	s10 =	sadd.s32 s3, s10;
	[sflag:s7] =	ssyncset.done $0x0  }
0x71: {  	s17 =	smul.u32 $0xE000, s17;
	s21 =	sadd.s32 s3, s31;
	[sflag:s7] =	ssyncadd.s32 $0xFFFF2000  }
0x72: {  	[hbm4b:s21+s4] =	stream.linear.scatter [tilespmem:s6], [sflag:$0x2], $0xE000, $0x38;
	[tilespmem:$0x1C080] =	vst v63  }
0x73: {  	s16 =	sshrl.u32 s16, $0x3;
	s17 =	sshrl.u32 s17, $0x3;
	s18 =	smul.u32 $0xE000, s18  }
0x74: {  	[hbm4b:s10+s4] =	stream.linear.scatter [tilespmem:s6], [sflag:$0x2], $0xE000, $0x38;
	[tilespmem:$0x1C080] =	vst v63  }
0x75: {  	s16 =	sadd.s32 s3, s16;
	s17 =	sadd.s32 s3, s17;
	s23 =	smul.u32 $0xE000, s19  }
0x76: {  	[hbm4b:s16+s4] =	stream.linear.scatter [tilespmem:s6], [sflag:$0x2], $0xE000, $0x38;
	[tilespmem:$0x1C080] =	vst v63  }
0x77: {  	s22 =	sshrl.u32 s18, $0x3;
	s26 =	smul.u32 $0xE000, s20;
	s25 =	spop (v2sf)  }
0x78: {  	[hbm4b:s17+s4] =	stream.linear.scatter [tilespmem:s6], [sflag:$0x2], $0xE000, $0x38;
	[tilespmem:$0x1C080] =	vst v63  }
0x79: {  	s24 =	sshrl.u32 s23, $0x3;
	s28 =	spop (v2sf);
	s10 =	sadd.s32 s3, s22  }
0x7a: {  	[hbm4b:s10+s4] =	stream.linear.scatter [tilespmem:s6], [sflag:$0x2], $0xE000, $0x38;
	[tilespmem:$0x1C080] =	vst v63  }
0x7b: {  	s30 =	sadd.s32 s3, s24;
	s29 =	spop (v2sf);
	s17 =	sshrl.u32 s26, $0x3  }
0x7c: {  	[hbm4b:s30+s4] =	stream.linear.scatter [tilespmem:s6], [sflag:$0x2], $0xE000, $0x38;
	[tilespmem:$0x1C080] =	vst v63  }
0x7d: {  	s31 =	spop (v2sf);
	s17 =	sadd.s32 s3, s17;
	s10 =	simm.s32 $0x3  }
0x7e: {  	[hbm4b:s17+s4] =	stream.linear.scatter [tilespmem:s6], [sflag:$0x2], $0xE000, $0x38;
	[tilespmem:$0x1C080] =	vst v63  }
0x7f: {  	_ =	swait.ge [sflag:s10], $0xE000  }
0x80: {  	[sflag:s10] =	ssyncset.done $0x0  }
0x81: {  	[sflag:s10] =	ssyncadd.s32 $0xFFFF2000  }
0x82: {  	_ =	swait.ge [sflag:s10], $0xE000  }
0x83: {  	[sflag:s10] =	ssyncset.done $0x0  }
0x84: {  	[sflag:s10] =	ssyncadd.s32 $0xFFFF2000  }
0x85: {  	_ =	swait.ge [sflag:s10], $0xE000  }
0x86: {  	[sflag:s10] =	ssyncset.done $0x0  }
0x87: {  	[sflag:s10] =	ssyncadd.s32 $0xFFFF2000  }
0x88: {  	_ =	swait.ge [sflag:s10], $0xE000  }
0x89: {  	[sflag:s10] =	ssyncset.done $0x0  }
0x8a: {  	[sflag:s10] =	ssyncadd.s32 $0xFFFF2000  }
0x8b: {  	_ =	swait.ge [sflag:s10], $0xE000  }
0x8c: {  	[sflag:s10] =	ssyncset.done $0x0  }
0x8d: {  	[sflag:s10] =	ssyncadd.s32 $0xFFFF2000  }
0x8e: {  	_ =	swait.ge [sflag:s10], $0xE000  }
0x8f: {  	[sflag:s10] =	ssyncset.done $0x0  }
0x90: {  	s12 =	smul.u32 $0xE000, s12;
	[sflag:s10] =	ssyncadd.s32 $0xFFFF2000  }
0x91: {  	_ =	swait.ge [sflag:s10], $0xE000  }
0x92: {  	s12 =	sshrl.u32 s12, $0x3;
	[sflag:s10] =	ssyncset.done $0x0  }
0x93: {  	s13 =	smul.u32 $0xE000, s13;
	s12 =	sadd.s32 s2, s12;
	[sflag:s10] =	ssyncadd.s32 $0xFFFF2000  }
0x94: {  	[tilespmem:s8], [sflag:$0x1] =	stream.linear.gather [hbm4b:s12+s4], $0xE000, $0x38;
	[tilespmem:$0x1C080] =	vst v63  }
0x95: {  	s15 =	smul.u32 $0xE000, s15;
	_ =	swait.ge [sflag:s7], $0xE000  }
0x96: {  	s14 =	smul.u32 $0xE000, s14;
	s21 =	sshrl.u32 s13, $0x3;
	[sflag:s7] =	ssyncset.done $0x0  }
0x97: {  	s22 =	sshrl.u32 s15, $0x3;
	s12 =	sadd.s32 s3, s21;
	[sflag:s7] =	ssyncadd.s32 $0xFFFF2000  }
0x98: {  	[hbm4b:s12+s4] =	stream.linear.scatter [tilespmem:s8], [sflag:$0x3], $0xE000, $0x38;
	[tilespmem:$0x1C080] =	vst v63  }
0x99: {  	s14 =	sshrl.u32 s14, $0x3;
	s23 =	smul.u32 $0xE000, s25;
	s13 =	sadd.s32 s3, s22  }
0x9a: {  	[hbm4b:s13+s4] =	stream.linear.scatter [tilespmem:s8], [sflag:$0x3], $0xE000, $0x38;
	[tilespmem:$0x1C080] =	vst v63  }
0x9b: {  	s14 =	sadd.s32 s3, s14;
	s24 =	smul.u32 $0xE000, s28;
	s12 =	sshrl.u32 s23, $0x3  }
0x9c: {  	[hbm4b:s14+s4] =	stream.linear.scatter [tilespmem:s8], [sflag:$0x3], $0xE000, $0x38;
	[tilespmem:$0x1C080] =	vst v63  }
0x9d: {  	s25 =	smul.u32 $0xE000, s29;
	s12 =	sadd.s32 s3, s12;
	s13 =	sshrl.u32 s24, $0x3  }
0x9e: {  	[hbm4b:s12+s4] =	stream.linear.scatter [tilespmem:s8], [sflag:$0x3], $0xE000, $0x38;
	[tilespmem:$0x1C080] =	vst v63  }
0x9f: {  	s26 =	sshrl.u32 s25, $0x3;
	s28 =	smul.u32 $0xE000, s31;
	s13 =	sadd.s32 s3, s13  }
0xa0: {  	[hbm4b:s13+s4] =	stream.linear.scatter [tilespmem:s8], [sflag:$0x3], $0xE000, $0x38;
	[tilespmem:$0x1C080] =	vst v63  }
0xa1: {  	s29 =	sshrl.u32 s28, $0x3;
	s12 =	sadd.s32 s3, s26  }
0xa2: {  	[hbm4b:s12+s4] =	stream.linear.scatter [tilespmem:s8], [sflag:$0x3], $0xE000, $0x38;
	[tilespmem:$0x1C080] =	vst v63  }
0xa3: {  	s30 =	sadd.s32 s3, s29  }
0xa4: {  	[hbm4b:s30+s4] =	stream.linear.scatter [tilespmem:s8], [sflag:$0x3], $0xE000, $0x38;
	[tilespmem:$0x1C080] =	vst v63  }
0xa5: {  	_ =	swait.ge [sflag:s9], $0xE000  }
0xa6: {  	[sflag:s9] =	ssyncset.done $0x0  }
0xa7: {  	[sflag:s9] =	ssyncadd.s32 $0xFFFF2000  }
0xa8: {  	_ =	swait.ge [sflag:s9], $0xE000  }
0xa9: {  	[sflag:s9] =	ssyncset.done $0x0  }
0xaa: {  	[sflag:s9] =	ssyncadd.s32 $0xFFFF2000  }
0xab: {  	_ =	swait.ge [sflag:s9], $0xE000  }
0xac: {  	[sflag:s9] =	ssyncset.done $0x0  }
0xad: {  	[sflag:s9] =	ssyncadd.s32 $0xFFFF2000  }
0xae: {  	_ =	swait.ge [sflag:s9], $0xE000  }
0xaf: {  	[sflag:s9] =	ssyncset.done $0x0  }
0xb0: {  	[sflag:s9] =	ssyncadd.s32 $0xFFFF2000  }
0xb1: {  	_ =	swait.ge [sflag:s9], $0xE000  }
0xb2: {  	[sflag:s9] =	ssyncset.done $0x0  }
0xb3: {  	[sflag:s9] =	ssyncadd.s32 $0xFFFF2000  }
0xb4: {  	_ =	swait.ge [sflag:s9], $0xE000  }
0xb5: {  	[sflag:s9] =	ssyncset.done $0x0  }
0xb6: {  	[sflag:s9] =	ssyncadd.s32 $0xFFFF2000  }
0xb7: {  	_ =	swait.ge [sflag:s9], $0xE000  }
0xb8: {  	[sflag:s9] =	ssyncset.done $0x0  }
0xb9: {  	[sflag:s9] =	ssyncadd.s32 $0xFFFF2000  }
0xba: {  	_ =	swait.ge [sflag:s10], $0xE000  }
0xbb: {  	[sflag:s10] =	ssyncset.done $0x0  }
0xbc: {  	[sflag:s10] =	ssyncadd.s32 $0xFFFF2000  }
0xbd: {  	_ =	swait.ge [sflag:s10], $0xE000  }
0xbe: {  	[sflag:s10] =	ssyncset.done $0x0  }
0xbf: {  	[sflag:s10] =	ssyncadd.s32 $0xFFFF2000  }
0xc0: {  	s11 =	ssub.s32 $0x2, s11;
	_ =	swait.ge [sflag:s10], $0xE000  }
0xc1: {  	s31 =	sshrl.u32 s11, $0x1;
	[sflag:s10] =	ssyncset.done $0x0  }
0xc2: {  	s11 =	ssub.s32 s11, s31;
	[sflag:s10] =	ssyncadd.s32 $0xFFFF2000  }
0xc3: {  	s11 =	smax.u32 s11, $0x1;
	_ =	swait.ge [sflag:s10], $0xE000  }
0xc4: {  	p0 =	sne.s32 s11, $0x1;
	[sflag:s10] =	ssyncset.done $0x0  }
.Ltmp1:
0xc5: {  	[sflag:s10] =	ssyncadd.s32 $0xFFFF2000;
	(pc) =	sbr.rel @!p0 .LBB2_3-.Ltmp1, $4  }
0xc6: {  	_ =	swait.ge [sflag:s10], $0xE000  }
0xc7: {  	[sflag:s10] =	ssyncset.done $0x0  }
0xc8: {  	[sflag:s10] =	ssyncadd.s32 $0xFFFF2000  }
0xc9: {  	s11 =	sadd.s32 $0xFFFFFFFF, s11;
	_ =	swait.ge [sflag:s10], $0xE000  }
.LBB2_2:
0xca: {  	[sflag:s10] =	ssyncset.done $0x0  }
0xcb: {  	[sflag:s10] =	ssyncadd.s32 $0xFFFF2000  }
0xcc: {  	_ =	swait.ge [sflag:s10], $0xE000  }
0xcd: {  	[sflag:s10] =	ssyncset.done $0x0  }
0xce: {  	s12 =	rddreg [dreg:$0x4];
	[sflag:s10] =	ssyncadd.s32 $0xFFFF2000  }
0xcf: {  	[tilespmem:s4], [sflag:$0x4] =	stream.linear.gather [hbm4b:s12+s4], $0x80, $0x38;
	[tilespmem:$0x1C080] =	vst v63  }
0xd0: {  	_ =	swait.ge [sflag:s5], $0x80  }
0xd1: {  	[sflag:s5] =	ssyncset.done $0x0  }
0xd2: {  	[sflag:s5] =	ssyncadd.s32 $0xFFFFFF80  }
0xd3: {  	v0 =	vld [tilespmem:$0x0]  }
0xd4: {  	v1 =	vld [tilespmem:$0x10];
	_ =	sdelay $0x3  }
0xd5: {  	v3 =	vnsel vm0, $0xFFFFFFFF, v0  }
0xd6: {  	v6 =	vnsel vm0, $0xFFFFFFFF, v1;
	v3 =	vxor.u32 $0x80000000, v3  }
0xd7: {  	v7 =	vsel vm1, $0xFFFFFFFF, v1;
	v6 =	vxor.u32 $0x80000000, v6;
	(xrf0) =	vmax.scan.msk.u32 $0xffff, v3  }
0xd8: {  	v8 =	vsel vm2, $0xFFFFFFFF, v1;
	v7 =	vxor.u32 $0x80000000, v7;
	(xrf0) =	vmax.scan.msk.u32 $0xffff, v6  }
0xd9: {  	v52 =	vsel vm3, $0xFFFFFFFF, v1;
	v51 =	vxor.u32 $0x80000000, v8;
	(xrf0) =	vmax.scan.msk.u32 $0xffff, v7  }
0xda: {  	v9 =	vsel vm4, $0xFFFFFFFF, v1;
	v53 =	vxor.u32 $0x80000000, v52;
	(xrf0) =	vmax.scan.msk.u32 $0xffff, v51  }
0xdb: {  	v55 =	vsel vm5, $0xFFFFFFFF, v1;
	v54 =	vxor.u32 $0x80000000, v9;
	(xrf0) =	vmax.scan.msk.u32 $0xffff, v53  }
0xdc: {  	v57 =	vsel vm6, $0xFFFFFFFF, v1;
	v56 =	vxor.u32 $0x80000000, v55;
	(xrf0) =	vmax.scan.msk.u32 $0xffff, v54  }
0xdd: {  	v4 =	vsel vm1, $0xFFFFFFFF, v0;
	v58 =	vxor.u32 $0x80000000, v57;
	v12, _, _ =	vpop (xrf0);
	(xrf0) =	vmax.scan.msk.u32 $0xffff, v56  }
0xde: {  	v59 =	vsel vm7, $0xFFFFFFFF, v1;
	v4 =	vxor.u32 $0x80000000, v4;
	(v2sf) =	vpush v12, $0xF;
	v11, _, _ =	vpop (xrf0);
	(xrf0) =	vmax.scan.msk.u32 $0xffff, v58  }
0xdf: {  	v10 =	vsel vm8, $0xFFFFFFFF, v1;
	v60 =	vxor.u32 $0x80000000, v59;
	v21, _, _ =	vpop (xrf0);
	(xrf0) =	vmax.scan.msk.u32 $0xffff, v4  }
0xe0: {  	v62 =	vsel vm9, $0xFFFFFFFF, v1;
	v61 =	vxor.u32 $0x80000000, v10;
	(v2sf) =	vpush v11, $0xF;
	v23, _, _ =	vpop (xrf0);
	(xrf0) =	vmax.scan.msk.u32 $0xffff, v60  }
0xe1: {  	v16 =	vsel vm10, $0xFFFFFFFF, v1;
	v63 =	vxor.u32 $0x80000000, v62;
	(v2sf) =	vpush v21, $0xF;
	v25, _, _ =	vpop (xrf0);
	(xrf0) =	vmax.scan.msk.u32 $0xffff, v61  }
0xe2: {  	v13 =	vsel vm11, $0xFFFFFFFF, v1;
	v17 =	vxor.u32 $0x80000000, v16;
	(v2sf) =	vpush v23, $0xF;
	v27, _, _ =	vpop (xrf0);
	(xrf0) =	vmax.scan.msk.u32 $0xffff, v63  }
0xe3: {  	v2 =	vld [tilespmem:$0x20];
	v19 =	vsel vm12, $0xFFFFFFFF, v1;
	v18 =	vxor.u32 $0x80000000, v13;
	v30, _, _ =	vpop (xrf0);
	(xrf0) =	vmax.scan.msk.u32 $0xffff, v17  }
0xe4: {  	v20 =	vsel vm13, $0xFFFFFFFF, v1;
	v3 =	vxor.u32 $0x80000000, v19;
	v15, _, _ =	vpop (xrf0);
	(xrf0) =	vmax.scan.msk.u32 $0xffff, v18  }
0xe5: {  	v5 =	vsel vm2, $0xFFFFFFFF, v0;
	v22 =	vxor.u32 $0x80000000, v20;
	v34, _, _ =	vpop (xrf0);
	(xrf0) =	vmax.scan.msk.u32 $0xffff, v3  }
0xe6: {  	v24 =	vsel vm14, $0xFFFFFFFF, v1;
	v5 =	vxor.u32 $0x80000000, v5;
	v16, _, _ =	vpop (xrf0);
	(xrf0) =	vmax.scan.msk.u32 $0xffff, v22  }
0xe7: {  	v1 =	vsel vm15, $0xFFFFFFFF, v1;
	v6 =	vxor.u32 $0x80000000, v24;
	(v2sf) =	vpush v25, $0xF;
	v37, _, _ =	vpop (xrf0);
	(xrf0) =	vmax.scan.msk.u32 $0xffff, v5  }
0xe8: {  	v26 =	vnsel vm0, $0xFFFFFFFF, v2;
	v1 =	vxor.u32 $0x80000000, v1;
	v40, _, _ =	vpop (xrf0);
	(xrf0) =	vmax.scan.msk.u32 $0xffff, v6  }
0xe9: {  	v29 =	vsel vm1, $0xFFFFFFFF, v2;
	v28 =	vxor.u32 $0x80000000, v26;
	(v2sf) =	vpush v27, $0xF;
	v18, _, _ =	vpop (xrf0);
	(xrf0) =	vmax.scan.msk.u32 $0xffff, v1  }
0xea: {  	v32 =	vsel vm2, $0xFFFFFFFF, v2;
	v31 =	vxor.u32 $0x80000000, v29;
	v44, _, _ =	vpop (xrf0);
	(xrf0) =	vmax.scan.msk.u32 $0xffff, v28  }
0xeb: {  	v14 =	vsel vm3, $0xFFFFFFFF, v2;
	v9 =	vxor.u32 $0x80000000, v32;
	(v2sf) =	vpush v30, $0xF;
	v19, _, _ =	vpop (xrf0);
	(xrf0) =	vmax.scan.msk.u32 $0xffff, v31  }
0xec: {  	v35 =	vsel vm4, $0xFFFFFFFF, v2;
	v33 =	vxor.u32 $0x80000000, v14;
	v47, _, _ =	vpop (xrf0);
	(xrf0) =	vmax.scan.msk.u32 $0xffff, v9  }
0xed: {  	v0 =	vsel vm3, $0xFFFFFFFF, v0;
	v3 =	vxor.u32 $0x80000000, v35;
	s22 =	spop (v2sf);
	v48, _, _ =	vpop (xrf0);
	(xrf0) =	vmax.scan.msk.u32 $0xffff, v33  }
0xee: {  	v0 =	vxor.u32 $0x80000000, v0;
	v17 =	vsel vm5, $0xFFFFFFFF, v2;
	s12 =	smul.u32 $0xE000, s22;
	v49, _, _ =	vpop (xrf0);
	(xrf0) =	vmax.scan.msk.u32 $0xffff, v3  }
0xef: {  	v38 =	vsel vm6, $0xFFFFFFFF, v2;
	v36 =	vxor.u32 $0x80000000, v17;
	s13 =	spop (v2sf);
	(v2sf) =	vpush v15, $0xF;
	v50, _, _ =	vpop (xrf0);
	(xrf0) =	vmax.scan.msk.u32 $0xffff, v0  }
0xf0: {  	v5 =	vxor.u32 $0x80000000, v38;
	s13 =	smul.u32 $0xE000, s13;
	s14 =	spop (v2sf);
	s12 =	sshrl.u32 s12, $0x3;
	v51, _, _ =	vpop (xrf0);
	(xrf0) =	vmax.scan.msk.u32 $0xffff, v36  }
0xf1: {  	v39 =	vsel vm7, $0xFFFFFFFF, v2;
	s14 =	smul.u32 $0xE000, s14;
	s15 =	spop (v2sf);
	s12 =	sadd.s32 s2, s12;
	v52, _, _ =	vpop (xrf0);
	(xrf0) =	vmax.scan.msk.u32 $0xffff, v5  }
0xf2: {  	v41 =	vxor.u32 $0x80000000, v39;
	(v2sf) =	vpush v34, $0xF;
	[tilespmem:s6], [sflag:$0x1] =	stream.linear.gather [hbm4b:s12+s4], $0xE000, $0x38;
	[tilespmem:$0x1C080] =	vst v63  }
0xf3: {  	s15 =	smul.u32 $0xE000, s15;
	(v2sf) =	vpush v16, $0xF;
	v53, _, _ =	vpop (xrf0);
	(xrf0) =	vmax.scan.msk.u32 $0xffff, v41  }
0xf4: {  	s13 =	sshrl.u32 s13, $0x3;
	s23 =	sshrl.u32 s14, $0x3;
	_ =	swait.ge [sflag:s7], $0xE000  }
0xf5: {  	s13 =	sadd.s32 s3, s13;
	s24 =	sshrl.u32 s15, $0x3;
	[sflag:s7] =	ssyncset.done $0x0  }
0xf6: {  	s12 =	sadd.s32 s3, s23;
	(v2sf) =	vpush v37, $0xF;
	s25 =	spop (v2sf);
	[sflag:s7] =	ssyncadd.s32 $0xFFFF2000  }
0xf7: {  	(v2sf) =	vpush v40, $0xF;
	[hbm4b:s13+s4] =	stream.linear.scatter [tilespmem:s6], [sflag:$0x2], $0xE000, $0x38;
	[tilespmem:$0x1C080] =	vst v63  }
0xf8: {  	s29 =	sadd.s32 s3, s24;
	s15 =	smul.u32 $0xE000, s25;
	s28 =	spop (v2sf)  }
0xf9: {  	[hbm4b:s12+s4] =	stream.linear.scatter [tilespmem:s6], [sflag:$0x2], $0xE000, $0x38;
	[tilespmem:$0x1C080] =	vst v63  }
0xfa: {  	v42 =	vsel vm8, $0xFFFFFFFF, v2;
	s30 =	smul.u32 $0xE000, s28;
	s31 =	spop (v2sf);
	s26 =	sshrl.u32 s15, $0x3  }
0xfb: {  	v43 =	vxor.u32 $0x80000000, v42;
	(v2sf) =	vpush v18, $0xF;
	[hbm4b:s29+s4] =	stream.linear.scatter [tilespmem:s6], [sflag:$0x2], $0xE000, $0x38;
	[tilespmem:$0x1C080] =	vst v63  }
0xfc: {  	v21 =	vsel vm9, $0xFFFFFFFF, v2;
	v54, _, _ =	vpop (xrf0);
	(xrf0) =	vmax.scan.msk.u32 $0xffff, v43;
	(v2sf) =	vpush v44, $0xF;
	s17 =	smul.u32 $0xE000, s31;
	s13 =	sadd.s32 s3, s26;
	s16 =	sshrl.u32 s30, $0x3  }
0xfd: {  	v45 =	vxor.u32 $0x80000000, v21;
	[hbm4b:s13+s4] =	stream.linear.scatter [tilespmem:s6], [sflag:$0x2], $0xE000, $0x38;
	[tilespmem:$0x1C080] =	vst v63  }
0xfe: {  	v20 =	vsel vm10, $0xFFFFFFFF, v2;
	v55, _, _ =	vpop (xrf0);
	(xrf0) =	vmax.scan.msk.u32 $0xffff, v45;
	s18 =	sadd.s32 s3, s16;
	s19 =	sshrl.u32 s17, $0x3;
	s20 =	spop (v2sf)  }
0xff: {  	v46 =	vxor.u32 $0x80000000, v20;
	[hbm4b:s18+s4] =	stream.linear.scatter [tilespmem:s6], [sflag:$0x2], $0xE000, $0x38;
	[tilespmem:$0x1C080] =	vst v63  }
0x100: {  	v2 =	vsel vm11, $0xFFFFFFFF, v2;
	v56, _, _ =	vpop (xrf0);
	(xrf0) =	vmax.scan.msk.u32 $0xffff, v46;
	s21 =	sadd.s32 s3, s19;
	(v2sf) =	vpush v19, $0xF;
	s22 =	smul.u32 $0xE000, s20  }
0x101: {  	v2 =	vxor.u32 $0x80000000, v2;
	[hbm4b:s21+s4] =	stream.linear.scatter [tilespmem:s6], [sflag:$0x2], $0xE000, $0x38;
	[tilespmem:$0x1C080] =	vst v63  }
0x102: {  	v57, _, _ =	vpop (xrf0);
	(xrf0) =	vmax.scan.msk.u32 $0xffff, v2;
	s23 =	spop (v2sf);
	(v2sf) =	vpush v47, $0xF;
	s24 =	sshrl.u32 s22, $0x3  }
0x103: {  	v58, _, _ =	vpop (xrf0);
	s25 =	smul.u32 $0xE000, s23;
	s26 =	spop (v2sf);
	s12 =	sadd.s32 s3, s24  }
0x104: {  	v59, _, _ =	vpop (xrf0);
	[hbm4b:s12+s4] =	stream.linear.scatter [tilespmem:s6], [sflag:$0x2], $0xE000, $0x38;
	[tilespmem:$0x1C080] =	vst v63  }
0x105: {  	v60, _, _ =	vpop (xrf0);
	s14 =	smul.u32 $0xE000, s26;
	s13 =	sshrl.u32 s25, $0x3;
	s28 =	spop (v2sf)  }
0x106: {  	v61, _, _ =	vpop (xrf0);
	s29 =	sadd.s32 s2, s13;
	s15 =	smul.u32 $0xE000, s28;
	s16 =	spop (v2sf);
	(v2sf) =	vpush v48, $0xF  }
0x107: {  	v62, _, _ =	vpop (xrf0);
	[tilespmem:s8], [sflag:$0x1] =	stream.linear.gather [hbm4b:s29+s4], $0xE000, $0x38;
	[tilespmem:$0x1C080] =	vst v63  }
0x108: {  	v63, _, _ =	vpop (xrf0);
	s30 =	sshrl.u32 s14, $0x3;
	(v2sf) =	vpush v49, $0xF;
	s17 =	smul.u32 $0xE000, s16  }
0x109: {  	s13 =	sadd.s32 s3, s30;
	s31 =	sshrl.u32 s15, $0x3;
	_ =	swait.ge [sflag:s7], $0xE000  }
0x10a: {  	s18 =	spop (v2sf);
	[sflag:s7] =	ssyncset.done $0x0;
	s12 =	sshrl.u32 s17, $0x3  }
0x10b: {  	s15 =	smul.u32 $0xE000, s18;
	s19 =	spop (v2sf);
	[sflag:s7] =	ssyncadd.s32 $0xFFFF2000  }
0x10c: {  	(v2sf) =	vpush v50, $0xF;
	[hbm4b:s13+s4] =	stream.linear.scatter [tilespmem:s8], [sflag:$0x3], $0xE000, $0x38;
	[tilespmem:$0x1C080] =	vst v63  }
0x10d: {  	s20 =	sadd.s32 s3, s31;
	s12 =	sadd.s32 s3, s12;
	s22 =	smul.u32 $0xE000, s19  }
0x10e: {  	(v2sf) =	vpush v51, $0xF;
	[hbm4b:s20+s4] =	stream.linear.scatter [tilespmem:s8], [sflag:$0x3], $0xE000, $0x38;
	[tilespmem:$0x1C080] =	vst v63  }
0x10f: {  	s21 =	sshrl.u32 s15, $0x3;
	s23 =	sshrl.u32 s22, $0x3;
	s24 =	spop (v2sf);
	(v2sf) =	vpush v52, $0xF  }
0x110: {  	[hbm4b:s12+s4] =	stream.linear.scatter [tilespmem:s8], [sflag:$0x3], $0xE000, $0x38;
	[tilespmem:$0x1C080] =	vst v63  }
0x111: {  	s25 =	sadd.s32 s3, s21;
	s26 =	smul.u32 $0xE000, s24;
	s28 =	spop (v2sf);
	(v2sf) =	vpush v53, $0xF  }
0x112: {  	[hbm4b:s25+s4] =	stream.linear.scatter [tilespmem:s8], [sflag:$0x3], $0xE000, $0x38;
	[tilespmem:$0x1C080] =	vst v63  }
0x113: {  	s29 =	sadd.s32 s3, s23;
	s30 =	sshrl.u32 s26, $0x3;
	s31 =	smul.u32 $0xE000, s28  }
0x114: {  	(v2sf) =	vpush v54, $0xF;
	[hbm4b:s29+s4] =	stream.linear.scatter [tilespmem:s8], [sflag:$0x3], $0xE000, $0x38;
	[tilespmem:$0x1C080] =	vst v63  }
0x115: {  	s15 =	sadd.s32 s3, s30;
	s16 =	sshrl.u32 s31, $0x3;
	s17 =	spop (v2sf);
	(v2sf) =	vpush v55, $0xF  }
0x116: {  	[hbm4b:s15+s4] =	stream.linear.scatter [tilespmem:s8], [sflag:$0x3], $0xE000, $0x38;
	[tilespmem:$0x1C080] =	vst v63  }
0x117: {  	s18 =	sadd.s32 s3, s16;
	s20 =	spop (v2sf)  }
0x118: {  	(v2sf) =	vpush v56, $0xF;
	[hbm4b:s18+s4] =	stream.linear.scatter [tilespmem:s8], [sflag:$0x3], $0xE000, $0x38;
	[tilespmem:$0x1C080] =	vst v63  }
0x119: {  	_ =	swait.ge [sflag:s9], $0xE000  }
0x11a: {  	(v2sf) =	vpush v57, $0xF;
	[sflag:s9] =	ssyncset.done $0x0  }
0x11b: {  	s22 =	spop (v2sf);
	[sflag:s9] =	ssyncadd.s32 $0xFFFF2000;
	(v2sf) =	vpush v58, $0xF  }
0x11c: {  	_ =	swait.ge [sflag:s9], $0xE000  }
0x11d: {  	s24 =	spop (v2sf);
	[sflag:s9] =	ssyncset.done $0x0  }
0x11e: {  	(v2sf) =	vpush v59, $0xF;
	[sflag:s9] =	ssyncadd.s32 $0xFFFF2000;
	s26 =	spop (v2sf)  }
0x11f: {  	_ =	swait.ge [sflag:s9], $0xE000  }
0x120: {  	[sflag:s9] =	ssyncset.done $0x0;
	s29 =	spop (v2sf);
	(v2sf) =	vpush v60, $0xF  }
0x121: {  	s21 =	smul.u32 $0xE000, s20;
	[sflag:s9] =	ssyncadd.s32 $0xFFFF2000;
	(v2sf) =	vpush v61, $0xF  }
0x122: {  	_ =	swait.ge [sflag:s9], $0xE000  }
0x123: {  	s15 =	sshrl.u32 s21, $0x3;
	s31 =	spop (v2sf);
	[sflag:s9] =	ssyncset.done $0x0  }
0x124: {  	s23 =	smul.u32 $0xE000, s22;
	[sflag:s9] =	ssyncadd.s32 $0xFFFF2000;
	s21 =	spop (v2sf)  }
0x125: {  	s19 =	smul.u32 $0xE000, s17;
	_ =	swait.ge [sflag:s9], $0xE000  }
0x126: {  	s16 =	sshrl.u32 s23, $0x3;
	s25 =	smul.u32 $0xE000, s24;
	[sflag:s9] =	ssyncset.done $0x0  }
0x127: {  	s22 =	smul.u32 $0xE000, s21;
	s23 =	spop (v2sf);
	(v2sf) =	vpush v62, $0xF;
	[sflag:s9] =	ssyncadd.s32 $0xFFFF2000  }
0x128: {  	s28 =	smul.u32 $0xE000, s26;
	_ =	swait.ge [sflag:s9], $0xE000  }
0x129: {  	s21 =	sshrl.u32 s22, $0x3;
	s22 =	spop (v2sf);
	[sflag:s9] =	ssyncset.done $0x0  }
0x12a: {  	s24 =	smul.u32 $0xE000, s23;
	(v2sf) =	vpush v63, $0xF;
	[sflag:s9] =	ssyncadd.s32 $0xFFFF2000;
	s26 =	spop (v2sf)  }
0x12b: {  	_ =	swait.ge [sflag:s9], $0xE000  }
0x12c: {  	s14 =	sshrl.u32 s19, $0x3;
	s13 =	sshrl.u32 s24, $0x3;
	[sflag:s9] =	ssyncset.done $0x0  }
0x12d: {  	s24 =	sadd.s32 s2, s14;
	s23 =	spop (v2sf);
	[sflag:s9] =	ssyncadd.s32 $0xFFFF2000  }
0x12e: {  	[tilespmem:s6], [sflag:$0x1] =	stream.linear.gather [hbm4b:s24+s4], $0xE000, $0x38;
	[tilespmem:$0x1C080] =	vst v63  }
0x12f: {  	s17 =	sshrl.u32 s25, $0x3;
	s25 =	smul.u32 $0xE000, s22;
	_ =	swait.ge [sflag:s7], $0xE000  }
0x130: {  	s18 =	sshrl.u32 s28, $0x3;
	s30 =	smul.u32 $0xE000, s29;
	[sflag:s7] =	ssyncset.done $0x0  }
0x131: {  	s12 =	sshrl.u32 s25, $0x3;
	s25 =	sadd.s32 s3, s15;
	[sflag:s7] =	ssyncadd.s32 $0xFFFF2000  }
0x132: {  	[hbm4b:s25+s4] =	stream.linear.scatter [tilespmem:s6], [sflag:$0x2], $0xE000, $0x38;
	[tilespmem:$0x1C080] =	vst v63  }
0x133: {  	s18 =	sadd.s32 s3, s18;
	s20 =	smul.u32 $0xE000, s31;
	s31 =	sadd.s32 s3, s16  }
0x134: {  	[hbm4b:s31+s4] =	stream.linear.scatter [tilespmem:s6], [sflag:$0x2], $0xE000, $0x38;
	[tilespmem:$0x1C080] =	vst v63  }
0x135: {  	s19 =	sshrl.u32 s30, $0x3;
	s22 =	smul.u32 $0xE000, s26;
	s25 =	sadd.s32 s3, s17  }
0x136: {  	[hbm4b:s25+s4] =	stream.linear.scatter [tilespmem:s6], [sflag:$0x2], $0xE000, $0x38;
	[tilespmem:$0x1C080] =	vst v63  }
0x137: {  	s19 =	sadd.s32 s3, s19;
	s28 =	smul.u32 $0xE000, s23;
	s29 =	spop (v2sf)  }
0x138: {  	[hbm4b:s18+s4] =	stream.linear.scatter [tilespmem:s6], [sflag:$0x2], $0xE000, $0x38;
	[tilespmem:$0x1C080] =	vst v63  }
0x139: {  	s20 =	sshrl.u32 s20, $0x3;
	s23 =	smul.u32 $0xE000, s29;
	s30 =	spop (v2sf)  }
0x13a: {  	[hbm4b:s19+s4] =	stream.linear.scatter [tilespmem:s6], [sflag:$0x2], $0xE000, $0x38;
	[tilespmem:$0x1C080] =	vst v63  }
0x13b: {  	s20 =	sadd.s32 s3, s20;
	s24 =	smul.u32 $0xE000, s30;
	s26 =	spop (v2sf)  }
0x13c: {  	[hbm4b:s20+s4] =	stream.linear.scatter [tilespmem:s6], [sflag:$0x2], $0xE000, $0x38;
	[tilespmem:$0x1C080] =	vst v63  }
0x13d: {  	s17 =	sshrl.u32 s24, $0x3;
	s24 =	sadd.s32 s3, s21;
	s29 =	spop (v2sf)  }
0x13e: {  	[hbm4b:s24+s4] =	stream.linear.scatter [tilespmem:s6], [sflag:$0x2], $0xE000, $0x38;
	[tilespmem:$0x1C080] =	vst v63  }
0x13f: {  	_ =	swait.ge [sflag:s10], $0xE000  }
0x140: {  	[sflag:s10] =	ssyncset.done $0x0  }
0x141: {  	[sflag:s10] =	ssyncadd.s32 $0xFFFF2000  }
0x142: {  	_ =	swait.ge [sflag:s10], $0xE000  }
0x143: {  	[sflag:s10] =	ssyncset.done $0x0  }
0x144: {  	[sflag:s10] =	ssyncadd.s32 $0xFFFF2000  }
0x145: {  	_ =	swait.ge [sflag:s10], $0xE000  }
0x146: {  	[sflag:s10] =	ssyncset.done $0x0  }
0x147: {  	[sflag:s10] =	ssyncadd.s32 $0xFFFF2000  }
0x148: {  	_ =	swait.ge [sflag:s10], $0xE000  }
0x149: {  	[sflag:s10] =	ssyncset.done $0x0  }
0x14a: {  	[sflag:s10] =	ssyncadd.s32 $0xFFFF2000  }
0x14b: {  	_ =	swait.ge [sflag:s10], $0xE000  }
0x14c: {  	[sflag:s10] =	ssyncset.done $0x0  }
0x14d: {  	[sflag:s10] =	ssyncadd.s32 $0xFFFF2000  }
0x14e: {  	_ =	swait.ge [sflag:s10], $0xE000  }
0x14f: {  	[sflag:s10] =	ssyncset.done $0x0  }
0x150: {  	[sflag:s10] =	ssyncadd.s32 $0xFFFF2000  }
0x151: {  	_ =	swait.ge [sflag:s10], $0xE000  }
0x152: {  	[sflag:s10] =	ssyncset.done $0x0  }
0x153: {  	s13 =	sadd.s32 s2, s13;
	[sflag:s10] =	ssyncadd.s32 $0xFFFF2000  }
0x154: {  	[tilespmem:s8], [sflag:$0x1] =	stream.linear.gather [hbm4b:s13+s4], $0xE000, $0x38;
	[tilespmem:$0x1C080] =	vst v63  }
0x155: {  	_ =	swait.ge [sflag:s7], $0xE000  }
0x156: {  	[sflag:s7] =	ssyncset.done $0x0  }
0x157: {  	s14 =	sshrl.u32 s22, $0x3;
	s12 =	sadd.s32 s3, s12;
	[sflag:s7] =	ssyncadd.s32 $0xFFFF2000  }
0x158: {  	[hbm4b:s12+s4] =	stream.linear.scatter [tilespmem:s8], [sflag:$0x3], $0xE000, $0x38;
	[tilespmem:$0x1C080] =	vst v63  }
0x159: {  	s15 =	sshrl.u32 s28, $0x3;
	s25 =	sadd.s32 s3, s14  }
0x15a: {  	[hbm4b:s25+s4] =	stream.linear.scatter [tilespmem:s8], [sflag:$0x3], $0xE000, $0x38;
	[tilespmem:$0x1C080] =	vst v63  }
0x15b: {  	s16 =	sshrl.u32 s23, $0x3;
	s28 =	smul.u32 $0xE000, s26;
	s26 =	sadd.s32 s3, s15  }
0x15c: {  	[hbm4b:s26+s4] =	stream.linear.scatter [tilespmem:s8], [sflag:$0x3], $0xE000, $0x38;
	[tilespmem:$0x1C080] =	vst v63  }
0x15d: {  	s30 =	sshrl.u32 s28, $0x3;
	s28 =	sadd.s32 s3, s16  }
0x15e: {  	[hbm4b:s28+s4] =	stream.linear.scatter [tilespmem:s8], [sflag:$0x3], $0xE000, $0x38;
	[tilespmem:$0x1C080] =	vst v63  }
0x15f: {  	s31 =	smul.u32 $0xE000, s29;
	s29 =	sadd.s32 s3, s17  }
0x160: {  	[hbm4b:s29+s4] =	stream.linear.scatter [tilespmem:s8], [sflag:$0x3], $0xE000, $0x38;
	[tilespmem:$0x1C080] =	vst v63  }
0x161: {  	s30 =	sadd.s32 s3, s30;
	s23 =	sshrl.u32 s31, $0x3  }
0x162: {  	[hbm4b:s30+s4] =	stream.linear.scatter [tilespmem:s8], [sflag:$0x3], $0xE000, $0x38;
	[tilespmem:$0x1C080] =	vst v63  }
0x163: {  	s31 =	sadd.s32 s3, s23  }
0x164: {  	[hbm4b:s31+s4] =	stream.linear.scatter [tilespmem:s8], [sflag:$0x3], $0xE000, $0x38;
	[tilespmem:$0x1C080] =	vst v63  }
0x165: {  	_ =	swait.ge [sflag:s9], $0xE000  }
0x166: {  	[sflag:s9] =	ssyncset.done $0x0  }
0x167: {  	[sflag:s9] =	ssyncadd.s32 $0xFFFF2000  }
0x168: {  	_ =	swait.ge [sflag:s9], $0xE000  }
0x169: {  	[sflag:s9] =	ssyncset.done $0x0  }
0x16a: {  	[sflag:s9] =	ssyncadd.s32 $0xFFFF2000  }
0x16b: {  	_ =	swait.ge [sflag:s9], $0xE000  }
0x16c: {  	[sflag:s9] =	ssyncset.done $0x0  }
0x16d: {  	[sflag:s9] =	ssyncadd.s32 $0xFFFF2000  }
0x16e: {  	_ =	swait.ge [sflag:s9], $0xE000  }
0x16f: {  	[sflag:s9] =	ssyncset.done $0x0  }
0x170: {  	[sflag:s9] =	ssyncadd.s32 $0xFFFF2000  }
0x171: {  	_ =	swait.ge [sflag:s9], $0xE000  }
0x172: {  	[sflag:s9] =	ssyncset.done $0x0  }
0x173: {  	[sflag:s9] =	ssyncadd.s32 $0xFFFF2000  }
0x174: {  	_ =	swait.ge [sflag:s9], $0xE000  }
0x175: {  	[sflag:s9] =	ssyncset.done $0x0  }
0x176: {  	[sflag:s9] =	ssyncadd.s32 $0xFFFF2000  }
0x177: {  	_ =	swait.ge [sflag:s9], $0xE000  }
0x178: {  	[sflag:s9] =	ssyncset.done $0x0  }
0x179: {  	[sflag:s9] =	ssyncadd.s32 $0xFFFF2000  }
0x17a: {  	_ =	swait.ge [sflag:s10], $0xE000  }
0x17b: {  	[sflag:s10] =	ssyncset.done $0x0  }
0x17c: {  	[sflag:s10] =	ssyncadd.s32 $0xFFFF2000  }
0x17d: {  	_ =	swait.ge [sflag:s10], $0xE000  }
0x17e: {  	[sflag:s10] =	ssyncset.done $0x0  }
0x17f: {  	[sflag:s10] =	ssyncadd.s32 $0xFFFF2000  }
0x180: {  	_ =	swait.ge [sflag:s10], $0xE000  }
0x181: {  	[sflag:s10] =	ssyncset.done $0x0  }
0x182: {  	[sflag:s10] =	ssyncadd.s32 $0xFFFF2000  }
0x183: {  	_ =	swait.ge [sflag:s10], $0xE000  }
0x184: {  	p0 =	sne.s32 s11, $0x1;
	[sflag:s10] =	ssyncset.done $0x0  }
.Ltmp2:
0x185: {  	[sflag:s10] =	ssyncadd.s32 $0xFFFF2000;
	(pc) =	sbr.rel @p0 .LBB2_2-.Ltmp2, $4  }
0x186: {  	_ =	swait.ge [sflag:s10], $0xE000  }
0x187: {  	[sflag:s10] =	ssyncset.done $0x0  }
0x188: {  	[sflag:s10] =	ssyncadd.s32 $0xFFFF2000  }
0x189: {  	s11 =	sadd.s32 $0xFFFFFFFF, s11;
	_ =	swait.ge [sflag:s10], $0xE000  }
.LBB2_3:
0x18a: {  	[sflag:s10] =	ssyncset.done $0x0  }
0x18b: {  	[sflag:s10] =	ssyncadd.s32 $0xFFFF2000  }
0x18c: {  	_ =	swait.ge [sflag:s10], $0xE000  }
0x18d: {  	[sflag:s10] =	ssyncset.done $0x0  }
0x18e: {  	[sflag:s10] =	ssyncadd.s32 $0xFFFF2000  }
.LBB2_4:
0x18f: {  	_ =	sfence.sel $0x180000  }
0x190: {  	[bflag:$0x0] =	sbarrier.arrive $0xFFFF  }
0x191: {  	p0 =	sne.s32 s0, $0x0;
	_ =	strace $0x90000047  }
0x192: {  	s0 =	sadd.s32 @!p0 $0x100000, s1;
	[bflag:$0x2] =	sbarrier.arrive $0xFFFF  }
0x193: {  	[sflag:s0] =	ssyncadd.tile.s32 @!p0 $0x1;
	_ =	shalt  }
.Lfunc_end2:
_tile_overlayer_lowered:
.L_overlay_start_2:
0x194: {  	(tag) =	ssettag $0x2  }
0x195: {  	s0 =	rddreg [dreg:$0x0];
	s2 =	stileid.u32  }
0x196: {  	s1 =	rddreg [dreg:$0x1];
	p0 =	sne.s32 s2, $0x0  }
0x197: {  	s3 =	rddreg [dreg:$0x2];
	[bflag:$0x3] =	sbarrier.arrive $0xFFFF;
	s2 =	simm.s32 @!p0 $0x1C04  }
0x198: {  	[timem:s3], [sflag:s2] =	dma.local @!p0 [hbm:s0], s1  }
0x199: {  	s0 =	simm.s32 @!p0 $0x4  }
0x19a: {  	_ =	swait.ge @!p0 [sflag:s0], s1  }
0x19b: {  	s1 =	ssub.s32 @!p0 $0x0, s1;
	[sflag:s0] =	ssyncset.done @!p0 $0x0  }
0x19c: {  	[sflag:s0] =	ssyncadd.s32 @!p0 s1  }
0x19d: {  	[bflag:$0x3] =	sbarrier.arrive $0xFFFF  }
0x19e: {  	_ =	shalt  }

</sc_bundles>
